<compile_context>
chip_gen: v7x
topology: tpu7x:2x2x1
jax: 0.10.2.dev20260603
libtpu: 0.0.44.dev20260713+nightly
codegen_flags: <defaults>
</compile_context>

<pallas_src>
import functools

import jax
import jax.numpy as jnp
from jax import lax
from jax.experimental import pallas as pl
from jax.experimental.pallas import tpu as pltpu
from jax.experimental.pallas import tpu_sc as plsc

_DEF = jax.lax.Precision.DEFAULT
_HI = jax.lax.Precision.HIGHEST


def _tc_body(kl_ref, ts_ref, t_ref, rcp_ref, tso_ref):
    mt = jnp.mean(kl_ref[...], axis=0)
    m = jnp.transpose(mt, (1, 0))
    m = m / jnp.sqrt(jnp.sum(m * m, axis=1, keepdims=True))
    ci = jax.lax.broadcasted_iota(jnp.int32, (1024, 2048), 1)
    rk = jax.lax.broadcasted_iota(jnp.int32, (1024, 1), 0)
    so = jnp.where(ci == 2 * rk + 1, 1.0, 0.0)
    b = jax.lax.dot_general(so, m, (((1,), (0,)), ((), ())),
                            precision=_HI)
    scores = jax.lax.dot_general(m, b, (((1,), (1,)), ((), ())),
                                 precision=_DEF)
    node_max = jnp.max(scores, axis=1, keepdims=True)
    ck = jax.lax.broadcasted_iota(jnp.int32, (2048, 1024), 1)
    nidx = jnp.min(jnp.where(scores == node_max, ck, 1024),
                   axis=1, keepdims=True)
    ri = jax.lax.broadcasted_iota(jnp.int32, (2048, 1), 0)
    evenok = (ri % 2 == 0) & (ri >= 2)
    merge = evenok & (ck == nidx)
    is_dst = ri == 2 * ck + 1
    mm = jnp.where(merge | is_dst, 1.0, 0.0)
    ones = jnp.ones((2048, 1), dtype=jnp.float32)
    cnt1 = jax.lax.dot_general(mm, ones, (((0,), (0,)), ((), ())),
                               precision=_DEF)
    ts_y = jax.lax.dot_general(mm, ts_ref[...], (((0,), (0,)), ((), ())),
                               precision=_DEF)
    odd = ri % 2 == 1
    t_ref[...] = jnp.where(odd, 1 + (ri - 1) // 2,
                           jnp.where(ri == 0, 1025, 1 + nidx))
    rcp_ref[...] = 1.0 / cnt1
    tso_ref[0:1, :] = ts_ref[0:1, :]
    tso_ref[pl.ds(1, 1024), :] = ts_y


def _sc_body(hid_hbm, idx_hbm, rcp_hbm, out_hbm, idx_v, rcp_v, src0, src1,
             acc0, acc1):
    c = lax.axis_index("c")
    s = lax.axis_index("s")
    t = s * 2 + c

    @pl.when(t < 24)
    def _():
        tc = t // 4
        lc0 = 32 * (t % 4)
        c0 = t * 32
        pltpu.sync_copy(idx_hbm, idx_v)
        pltpu.sync_copy(rcp_hbm, rcp_v)
        pltpu.sync_copy(hid_hbm.at[:, tc, :, pl.ds(lc0, 16)], src0)
        pltpu.sync_copy(hid_hbm.at[:, tc, :, pl.ds(lc0 + 16, 16)], src1)

        acc0[0, :] = src0[0, 0, :]
        acc1[0, :] = src1[0, 0, :]

        def _dst(g, _):
            for r in range(1, 16, 2):
                row = 1 + 8 * g + (r - 1) // 2
                tr = 2 * g + r // 8
                sr = r % 8
                acc0[row, :] = src0[tr, sr, :]
                acc1[row, :] = src1[tr, sr, :]
            return 0

        lax.fori_loop(0, 128, _dst, 0)

        def _accum(g, _):
            idx16 = idx_v[pl.ds(g * 16, 16)]
            for r in range(0, 16, 2):
                d = idx16[r]
                tr = 2 * g + r // 8
                sr = r % 8
                acc0[d, :] = acc0[d, :] + src0[tr, sr, :]
                acc1[d, :] = acc1[d, :] + src1[tr, sr, :]
            return 0

        lax.fori_loop(0, 128, _accum, 0)

        def _scale(g, _):
            w16 = rcp_v[pl.ds(g * 16, 16)]
            for r in range(16):
                row = 1 + g * 16 + r
                w = jnp.full((16,), w16[r], dtype=jnp.float32)
                acc0[row, :] = acc0[row, :] * w
                acc1[row, :] = acc1[row, :] * w
            return 0

        lax.fori_loop(0, 64, _scale, 0)
        pltpu.sync_copy(acc0.at[pl.ds(0, 1025)],
                        out_hbm.at[:, pl.ds(c0, 16)])
        pltpu.sync_copy(acc1.at[pl.ds(0, 1025)],
                        out_hbm.at[:, pl.ds(c0 + 16, 16)])


_sc_merge = functools.partial(
    pl.kernel,
    out_type=jax.ShapeDtypeStruct((1025, 768), jnp.float32),
    mesh=plsc.VectorSubcoreMesh(core_axis_name="c", subcore_axis_name="s"),
    compiler_params=pltpu.CompilerParams(use_tc_tiling_on_sc=False),
    scratch_types=[
        pltpu.VMEM((2048,), jnp.int32),
        pltpu.VMEM((1024,), jnp.float32),
        pltpu.VMEM((256, 8, 16), jnp.float32),
        pltpu.VMEM((256, 8, 16), jnp.float32),
        pltpu.VMEM((1026, 16), jnp.float32),
        pltpu.VMEM((1026, 16), jnp.float32),
    ],
)(_sc_body)


def kernel(hidden_states, attention_mask, self_attention_scores, key_layer,
           tome_size):
    del attention_mask, self_attention_scores
    tgt, rcp, ts_out = pl.pallas_call(
        _tc_body,
        out_shape=(
            jax.ShapeDtypeStruct((2048, 1), jnp.int32),
            jax.ShapeDtypeStruct((1024, 1), jnp.float32),
            jax.ShapeDtypeStruct((1025, 1), jnp.float32),
        ),
    )(jnp.transpose(key_layer[0], (0, 2, 1)), tome_size[0])

    hid4 = jnp.transpose(hidden_states[0].reshape(256, 8, 6, 128),
                         (0, 2, 1, 3))
    out = _sc_merge(hid4, tgt.reshape(2048), rcp.reshape(1024))

    preserved = out[None]
    new_ts = ts_out[None]
    mask = jnp.zeros((1, 1, 1, 1025), dtype=hidden_states.dtype)
    return preserved, mask, new_ts

# --- scband reference (transcript-rebuilt; emitter-appended) ---
"""Pipeline reference for scband-router-to-me-glue-use-key-68994354643295 (READ-ONLY COPY).

The authoritative reference and input builder live on the scoring server;
editing this copy changes nothing except your own understanding.
"""

import math
import jax, jax.numpy as jnp
import numpy as np

K_PRESERVED = 1024


def setup_inputs(seed: int = 0) -> dict:
    key = jax.random.key(seed)
    k1, k2, k3 = jax.random.split(key, 3)
    hidden_states = jax.random.normal(k1, (1, 2048, 768), dtype=jnp.float32)
    attention_mask = jnp.zeros((1, 1, 1, 2048), dtype=jnp.float32)
    self_attention_scores = jax.random.normal(k2, (1, 12, 2048, 2048), dtype=jnp.float32)
    key_layer = jax.random.normal(k3, (1, 12, 2048, 64), dtype=jnp.float32)
    tome_size = jnp.ones((1, 2048, 1), dtype=jnp.float32)
    return {
        "hidden_states": hidden_states,
        "attention_mask": attention_mask,
        "self_attention_scores": self_attention_scores,
        "key_layer": key_layer,
        "tome_size": tome_size,
    }


def _compute_merge_indices(metric, r):
    # metric: [L, d] (B == 1 squeezed). Mirrors ToMe bipartite_soft_matching with class_token=True.
    metric = metric / jnp.linalg.norm(metric, axis=-1, keepdims=True)
    a = metric[::2, :]   # even tokens (src set), [t1, d]
    b = metric[1::2, :]  # odd tokens (dst set),  [t2, d]
    scores = a @ b.T     # [t1, t2]
    scores = scores.at[0, :].set(-jnp.inf)  # protect class token (index 0, even)
    node_max = jnp.max(scores, axis=-1)      # [t1]
    node_idx = jnp.argmax(scores, axis=-1)   # [t1] best dst per src
    edge_idx = jnp.argsort(-node_max)        # descending similarity
    unm_idx = jnp.sort(edge_idx[r:])         # unmerged srcs, sorted so class token stays first
    src_idx = edge_idx[:r]                   # merged srcs
    dst_idx = node_idx[src_idx]              # their dst targets
    return unm_idx, src_idx, dst_idx


def _merge(x, unm_idx, src_idx, dst_idx, mode):
    # x: [1, L, c]; emulates torch scatter_reduce(reduce=mode, include_self=True)
    x2 = x[0]
    src = x2[::2, :]
    dst = x2[1::2, :]
    unm = src[unm_idx]        # gather unmerged src tokens
    src_sel = src[src_idx]    # gather merged src tokens
    add = jnp.zeros_like(dst).at[dst_idx].add(src_sel)  # scatter-add into dst rows
    if mode == 'sum':
        out = dst + add
    else:  # 'mean' with include_self=True
        cnt = jnp.zeros((dst.shape[0], 1), dtype=dst.dtype).at[dst_idx].add(1.0)
        out = (dst + add) / (1.0 + cnt)
    return jnp.concatenate([unm, out], axis=0)[None, ...]


def reference(hidden_states, attention_mask, self_attention_scores, key_layer, tome_size):
    B, L, D = hidden_states.shape
    r = min(max(0, L - K_PRESERVED), (L - 1) // 2)  # class_token => 1 protected
    # matching runs under torch.no_grad in the original -> stop_gradient
    metric = jax.lax.stop_gradient(key_layer.mean(axis=1)[0])  # [L, head_dim]
    unm_idx, src_idx, dst_idx = _compute_merge_indices(metric, r)
    preserved_tokens = _merge(hidden_states, unm_idx, src_idx, dst_idx, 'mean')
    new_tome_size = _merge(tome_size, unm_idx, src_idx, dst_idx, 'sum')
    final_attention_mask = jnp.zeros((B, 1, 1, preserved_tokens.shape[1]), dtype=hidden_states.dtype)
    return preserved_tokens, final_attention_mask, new_tome_size

if __name__ == "__main__":
    import jax
    _d = setup_inputs()
    print(jax.jit(kernel)(*tuple(_d.values())))

</pallas_src>

<mosaic_0001>
#map = affine_map<(d0, d1) -> (0, 0, 0, 0)>
#map1 = affine_map<(d0, d1) -> (0)>
#map2 = affine_map<(d0, d1) -> (0, 0)>
module attributes {stable_mosaic.version = 14 : i64} {
  func.func @_sc_body(%arg0: i32, %arg1: i32, %arg2: memref<256x6x8x128xf32, #tpu.memory_space<hbm>>, %arg3: memref<2048xi32, #tpu.memory_space<hbm>>, %arg4: memref<1024xf32, #tpu.memory_space<hbm>>, %arg5: memref<1025x768xf32, #tpu.memory_space<hbm>>, %arg6: memref<2048xi32, #tpu.memory_space<vmem>>, %arg7: memref<1024xf32, #tpu.memory_space<vmem>>, %arg8: memref<256x8x16xf32, #tpu.memory_space<vmem>>, %arg9: memref<256x8x16xf32, #tpu.memory_space<vmem>>, %arg10: memref<1026x16xf32, #tpu.memory_space<vmem>>, %arg11: memref<1026x16xf32, #tpu.memory_space<vmem>>) attributes {dimension_semantics = [#tpu.dimension_semantics<core_parallel>, #tpu.dimension_semantics<subcore_parallel>], iteration_bounds = array<i64: 2, 16>, scalar_prefetch = 0 : i64, scratch_operands = 6 : i64, tpu.core_type = #tpu.core_type<sc_vector_subcore>, window_params = [{transform_indices = #map}, {transform_indices = #map1}, {transform_indices = #map1}, {transform_indices = #map2}]} {
    %mul3A = arith.constant 2 : i32
    %mul3A_0 = arith.muli %arg1, %mul3A : i32
    %add3A = arith.addi %mul3A_0, %arg0 : i32
    %lt3A = arith.constant 24 : i32
    %lt3A_1 = arith.cmpi slt, %add3A, %lt3A : i32
    %convert_element_type3A = arith.extui %lt3A_1 : i1 to i32
    %cond3A = arith.constant 0 : i32
    %cond3A_2 = arith.cmpi ne, %convert_element_type3A, %cond3A : i32
    scf.if %cond3A_2 {
      %jit3A = arith.constant 4 : i32
      %div3A = arith.divsi %add3A, %jit3A : i32
      %sign3A = arith.constant 0 : i32
      %sign3A_3 = arith.cmpi sgt, %add3A, %sign3A : i32
      %sign3A_4 = arith.extui %sign3A_3 : i1 to i32
      %sign3A_5 = arith.constant 0 : i32
      %sign3A_6 = arith.cmpi slt, %add3A, %sign3A_5 : i32
      %sign3A_7 = arith.extui %sign3A_6 : i1 to i32
      %sign3A_8 = arith.subi %sign3A_4, %sign3A_7 : i32
      %sign3A_9 = arith.constant 0 : i32
      %sign3A_10 = arith.cmpi sgt, %jit3A, %sign3A_9 : i32
      %sign3A_11 = arith.extui %sign3A_10 : i1 to i32
      %sign3A_12 = arith.constant 0 : i32
      %sign3A_13 = arith.cmpi slt, %jit3A, %sign3A_12 : i32
      %sign3A_14 = arith.extui %sign3A_13 : i1 to i32
      %sign3A_15 = arith.subi %sign3A_11, %sign3A_14 : i32
      %ne3A = arith.cmpi ne, %sign3A_8, %sign3A_15 : i32
      %rem3A = arith.remsi %add3A, %jit3A : i32
      %ne3A_16 = arith.constant 0 : i32
      %ne3A_17 = arith.cmpi ne, %rem3A, %ne3A_16 : i32
      %and3A = arith.andi %ne3A, %ne3A_17 : i1
      %sub3A = arith.constant 1 : i32
      %sub3A_18 = arith.subi %div3A, %sub3A : i32
      %select_n3A = arith.select %and3A, %sub3A_18, %div3A : i32
      %jit3A_19 = arith.constant 4 : i32
      %eq3A = arith.constant 0 : i32
      %eq3A_20 = arith.cmpi eq, %jit3A_19, %eq3A : i32
      %jit3A_21 = arith.constant 1 : i32
      %select_n3A_22 = arith.select %eq3A_20, %jit3A_21, %jit3A_19 : i32
      %rem3A_23 = arith.remsi %add3A, %select_n3A_22 : i32
      %ne3A_24 = arith.constant 0 : i32
      %ne3A_25 = arith.cmpi ne, %rem3A_23, %ne3A_24 : i32
      %lt3A_26 = arith.constant 0 : i32
      %lt3A_27 = arith.cmpi slt, %rem3A_23, %lt3A_26 : i32
      %lt3A_28 = arith.constant 0 : i32
      %lt3A_29 = arith.cmpi slt, %select_n3A_22, %lt3A_28 : i32
      %ne3A_30 = arith.xori %lt3A_27, %lt3A_29 : i1
      %and3A_31 = arith.andi %ne3A_30, %ne3A_25 : i1
      %add3A_32 = arith.addi %rem3A_23, %select_n3A_22 : i32
      %select_n3A_33 = arith.select %and3A_31, %add3A_32, %rem3A_23 : i32
      %mul3A_34 = arith.constant 32 : i32
      %mul3A_35 = arith.muli %mul3A_34, %select_n3A_33 : i32
      %mul3A_36 = arith.constant 32 : i32
      %mul3A_37 = arith.muli %add3A, %mul3A_36 : i32
      "tpu.region"() ({
        %run_scoped3A = tpu.sem_alloc : memref<!tpu.dma_semaphore, #tpu.memory_space<semaphore_mem>>
        tpu.enqueue_dma source(%arg3 : memref<2048xi32, #tpu.memory_space<hbm>>) target(%arg6 : memref<2048xi32, #tpu.memory_space<vmem>>) target_semaphore(%run_scoped3A : memref<!tpu.dma_semaphore, #tpu.memory_space<semaphore_mem>>)
        tpu.wait_dma2 semaphore(%run_scoped3A : memref<!tpu.dma_semaphore, #tpu.memory_space<semaphore_mem>>) src(%arg3 : memref<2048xi32, #tpu.memory_space<hbm>>) dst(%arg6 : memref<2048xi32, #tpu.memory_space<vmem>>)
        tpu.yield
      }) : () -> ()
      "tpu.region"() ({
        %run_scoped3A = tpu.sem_alloc : memref<!tpu.dma_semaphore, #tpu.memory_space<semaphore_mem>>
        tpu.enqueue_dma source(%arg4 : memref<1024xf32, #tpu.memory_space<hbm>>) target(%arg7 : memref<1024xf32, #tpu.memory_space<vmem>>) target_semaphore(%run_scoped3A : memref<!tpu.dma_semaphore, #tpu.memory_space<semaphore_mem>>)
        tpu.wait_dma2 semaphore(%run_scoped3A : memref<!tpu.dma_semaphore, #tpu.memory_space<semaphore_mem>>) src(%arg4 : memref<1024xf32, #tpu.memory_space<hbm>>) dst(%arg7 : memref<1024xf32, #tpu.memory_space<vmem>>)
        tpu.yield
      }) : () -> ()
      "tpu.region"() ({
        %run_scoped3A = tpu.sem_alloc : memref<!tpu.dma_semaphore, #tpu.memory_space<semaphore_mem>>
        %dma_start3A = arith.constant 0 : i32
        %dma_start3A_86 = arith.constant 0 : i32
        %dma_start3A_87 = tpu.memref_slice %arg2[%dma_start3A, %select_n3A, %dma_start3A_86, %mul3A_35] : memref<256x6x8x128xf32, #tpu.memory_space<hbm>> -> memref<256x1x8x16xf32, #tpu.memory_space<hbm>>
        %dma_start3A_88 = tpu.memref_squeeze %dma_start3A_87 : memref<256x1x8x16xf32, #tpu.memory_space<hbm>> -> memref<256x8x16xf32, #tpu.memory_space<hbm>>
        %dma_start3A_89 = arith.constant 0 : i32
        %dma_start3A_90 = arith.constant 0 : i32
        %dma_start3A_91 = tpu.memref_slice %arg2[%dma_start3A_89, %select_n3A, %dma_start3A_90, %mul3A_35] : memref<256x6x8x128xf32, #tpu.memory_space<hbm>> -> memref<256x1x8x16xf32, #tpu.memory_space<hbm>>
        %dma_start3A_92 = tpu.memref_squeeze %dma_start3A_91 : memref<256x1x8x16xf32, #tpu.memory_space<hbm>> -> memref<256x8x16xf32, #tpu.memory_space<hbm>>
        tpu.enqueue_dma source(%dma_start3A_92 : memref<256x8x16xf32, #tpu.memory_space<hbm>>) target(%arg8 : memref<256x8x16xf32, #tpu.memory_space<vmem>>) target_semaphore(%run_scoped3A : memref<!tpu.dma_semaphore, #tpu.memory_space<semaphore_mem>>)
        %dma_wait3A = arith.constant 0 : i32
        %dma_wait3A_93 = arith.constant 0 : i32
        %dma_wait3A_94 = tpu.memref_slice %arg2[%dma_wait3A, %select_n3A, %dma_wait3A_93, %mul3A_35] : memref<256x6x8x128xf32, #tpu.memory_space<hbm>> -> memref<256x1x8x16xf32, #tpu.memory_space<hbm>>
        %dma_wait3A_95 = tpu.memref_squeeze %dma_wait3A_94 : memref<256x1x8x16xf32, #tpu.memory_space<hbm>> -> memref<256x8x16xf32, #tpu.memory_space<hbm>>
        %dma_wait3A_96 = arith.constant 0 : i32
        %dma_wait3A_97 = arith.constant 0 : i32
        %dma_wait3A_98 = tpu.memref_slice %arg2[%dma_wait3A_96, %select_n3A, %dma_wait3A_97, %mul3A_35] : memref<256x6x8x128xf32, #tpu.memory_space<hbm>> -> memref<256x1x8x16xf32, #tpu.memory_space<hbm>>
        %dma_wait3A_99 = tpu.memref_squeeze %dma_wait3A_98 : memref<256x1x8x16xf32, #tpu.memory_space<hbm>> -> memref<256x8x16xf32, #tpu.memory_space<hbm>>
        tpu.wait_dma2 semaphore(%run_scoped3A : memref<!tpu.dma_semaphore, #tpu.memory_space<semaphore_mem>>) src(%dma_wait3A_99 : memref<256x8x16xf32, #tpu.memory_space<hbm>>) dst(%arg8 : memref<256x8x16xf32, #tpu.memory_space<vmem>>)
        tpu.yield
      }) : () -> ()
      %add3A_38 = arith.constant 16 : i32
      %add3A_39 = arith.addi %mul3A_35, %add3A_38 : i32
      "tpu.region"() ({
        %run_scoped3A = tpu.sem_alloc : memref<!tpu.dma_semaphore, #tpu.memory_space<semaphore_mem>>
        %dma_start3A = arith.constant 0 : i32
        %dma_start3A_86 = arith.constant 0 : i32
        %dma_start3A_87 = tpu.memref_slice %arg2[%dma_start3A, %select_n3A, %dma_start3A_86, %add3A_39] : memref<256x6x8x128xf32, #tpu.memory_space<hbm>> -> memref<256x1x8x16xf32, #tpu.memory_space<hbm>>
        %dma_start3A_88 = tpu.memref_squeeze %dma_start3A_87 : memref<256x1x8x16xf32, #tpu.memory_space<hbm>> -> memref<256x8x16xf32, #tpu.memory_space<hbm>>
        %dma_start3A_89 = arith.constant 0 : i32
        %dma_start3A_90 = arith.constant 0 : i32
        %dma_start3A_91 = tpu.memref_slice %arg2[%dma_start3A_89, %select_n3A, %dma_start3A_90, %add3A_39] : memref<256x6x8x128xf32, #tpu.memory_space<hbm>> -> memref<256x1x8x16xf32, #tpu.memory_space<hbm>>
        %dma_start3A_92 = tpu.memref_squeeze %dma_start3A_91 : memref<256x1x8x16xf32, #tpu.memory_space<hbm>> -> memref<256x8x16xf32, #tpu.memory_space<hbm>>
        tpu.enqueue_dma source(%dma_start3A_92 : memref<256x8x16xf32, #tpu.memory_space<hbm>>) target(%arg9 : memref<256x8x16xf32, #tpu.memory_space<vmem>>) target_semaphore(%run_scoped3A : memref<!tpu.dma_semaphore, #tpu.memory_space<semaphore_mem>>)
        %dma_wait3A = arith.constant 0 : i32
        %dma_wait3A_93 = arith.constant 0 : i32
        %dma_wait3A_94 = tpu.memref_slice %arg2[%dma_wait3A, %select_n3A, %dma_wait3A_93, %add3A_39] : memref<256x6x8x128xf32, #tpu.memory_space<hbm>> -> memref<256x1x8x16xf32, #tpu.memory_space<hbm>>
        %dma_wait3A_95 = tpu.memref_squeeze %dma_wait3A_94 : memref<256x1x8x16xf32, #tpu.memory_space<hbm>> -> memref<256x8x16xf32, #tpu.memory_space<hbm>>
        %dma_wait3A_96 = arith.constant 0 : i32
        %dma_wait3A_97 = arith.constant 0 : i32
        %dma_wait3A_98 = tpu.memref_slice %arg2[%dma_wait3A_96, %select_n3A, %dma_wait3A_97, %add3A_39] : memref<256x6x8x128xf32, #tpu.memory_space<hbm>> -> memref<256x1x8x16xf32, #tpu.memory_space<hbm>>
        %dma_wait3A_99 = tpu.memref_squeeze %dma_wait3A_98 : memref<256x1x8x16xf32, #tpu.memory_space<hbm>> -> memref<256x8x16xf32, #tpu.memory_space<hbm>>
        tpu.wait_dma2 semaphore(%run_scoped3A : memref<!tpu.dma_semaphore, #tpu.memory_space<semaphore_mem>>) src(%dma_wait3A_99 : memref<256x8x16xf32, #tpu.memory_space<hbm>>) dst(%arg9 : memref<256x8x16xf32, #tpu.memory_space<vmem>>)
        tpu.yield
      }) : () -> ()
      %get3A = arith.constant 0 : i32
      %get3A_40 = arith.constant 0 : i32
      %get3A_41 = arith.index_cast %get3A : i32 to index
      %get3A_42 = arith.index_cast %get3A_40 : i32 to index
      %get3A_43 = arith.constant 0 : index
      %get3A_44 = tpu.vector_load %arg8[%get3A_41, %get3A_42, %get3A_43] {strides = array<i32>} : memref<256x8x16xf32, #tpu.memory_space<vmem>>, vector<1x1x16xf32>,
      %get3A_45 = vector.shape_cast %get3A_44 : vector<1x1x16xf32> to vector<16xf32>
      %swap3A = arith.constant 0 : i32
      %swap3A_46 = arith.index_cast %swap3A : i32 to index
      %swap3A_47 = arith.constant 0 : index
      %swap3A_48 = tpu.vector_load %arg10[%swap3A_46, %swap3A_47] {strides = array<i32>} : memref<1026x16xf32, #tpu.memory_space<vmem>>, vector<1x16xf32>,
      %swap3A_49 = vector.shape_cast %swap3A_48 : vector<1x16xf32> to vector<16xf32>
      %swap3A_50 = vector.shape_cast %get3A_45 : vector<16xf32> to vector<1x16xf32>
      tpu.vector_store %arg10[%swap3A_46, %swap3A_47], %swap3A_50 {strides = array<i32>} : memref<1026x16xf32, #tpu.memory_space<vmem>>, vector<1x16xf32>,
      %get3A_51 = arith.constant 0 : i32
      %get3A_52 = arith.constant 0 : i32
      %get3A_53 = arith.index_cast %get3A_51 : i32 to index
      %get3A_54 = arith.index_cast %get3A_52 : i32 to index
      %get3A_55 = arith.constant 0 : index
      %get3A_56 = tpu.vector_load %arg9[%get3A_53, %get3A_54, %get3A_55] {strides = array<i32>} : memref<256x8x16xf32, #tpu.memory_space<vmem>>, vector<1x1x16xf32>,
      %get3A_57 = vector.shape_cast %get3A_56 : vector<1x1x16xf32> to vector<16xf32>
      %swap3A_58 = arith.constant 0 : i32
      %swap3A_59 = arith.index_cast %swap3A_58 : i32 to index
      %swap3A_60 = arith.constant 0 : index
      %swap3A_61 = tpu.vector_load %arg11[%swap3A_59, %swap3A_60] {strides = array<i32>} : memref<1026x16xf32, #tpu.memory_space<vmem>>, vector<1x16xf32>,
      %swap3A_62 = vector.shape_cast %swap3A_61 : vector<1x16xf32> to vector<16xf32>
      %swap3A_63 = vector.shape_cast %get3A_57 : vector<16xf32> to vector<1x16xf32>
      tpu.vector_store %arg11[%swap3A_59, %swap3A_60], %swap3A_63 {strides = array<i32>} : memref<1026x16xf32, #tpu.memory_space<vmem>>, vector<1x16xf32>,
      %scan3A = arith.constant 0 : i32
      %scan3A_64 = arith.constant 0 : i32
      %scan3A_65 = arith.constant 128 : i32
      %scan3A_66 = arith.addi %scan3A_64, %scan3A_65 : i32
      %scan3A_67 = arith.constant 1 : i32
      %scan3A_68 = scf.for %scan3A_86 = %scan3A_64 to %scan3A_66 step %scan3A_67 iter_args(%scan3A_87 = %scan3A) -> (i32)  : i32 {
        %mul3A_88 = arith.constant 8 : i32
        %mul3A_89 = arith.muli %mul3A_88, %scan3A_86 : i32
        %add3A_90 = arith.constant 1 : i32
        %add3A_91 = arith.addi %add3A_90, %mul3A_89 : i32
        %add3A_92 = arith.constant 0 : i32
        %add3A_93 = arith.addi %add3A_91, %add3A_92 : i32
        %mul3A_94 = arith.constant 2 : i32
        %mul3A_95 = arith.muli %mul3A_94, %scan3A_86 : i32
        %add3A_96 = arith.constant 0 : i32
        %add3A_97 = arith.addi %mul3A_95, %add3A_96 : i32
        %get3A_98 = arith.constant 1 : i32
        %get3A_99 = arith.index_cast %add3A_97 : i32 to index
        %get3A_100 = arith.index_cast %get3A_98 : i32 to index
        %get3A_101 = arith.constant 0 : index
        %get3A_102 = tpu.vector_load %arg8[%get3A_99, %get3A_100, %get3A_101] {strides = array<i32>} : memref<256x8x16xf32, #tpu.memory_space<vmem>>, vector<1x1x16xf32>,
        %get3A_103 = vector.shape_cast %get3A_102 : vector<1x1x16xf32> to vector<16xf32>
        %swap3A_104 = arith.index_cast %add3A_93 : i32 to index
        %swap3A_105 = arith.constant 0 : index
        %swap3A_106 = tpu.vector_load %arg10[%swap3A_104, %swap3A_105] {strides = array<i32>} : memref<1026x16xf32, #tpu.memory_space<vmem>>, vector<1x16xf32>,
        %swap3A_107 = vector.shape_cast %swap3A_106 : vector<1x16xf32> to vector<16xf32>
        %swap3A_108 = vector.shape_cast %get3A_103 : vector<16xf32> to vector<1x16xf32>
        tpu.vector_store %arg10[%swap3A_104, %swap3A_105], %swap3A_108 {strides = array<i32>} : memref<1026x16xf32, #tpu.memory_space<vmem>>, vector<1x16xf32>,
        %get3A_109 = arith.constant 1 : i32
        %get3A_110 = arith.index_cast %add3A_97 : i32 to index
        %get3A_111 = arith.index_cast %get3A_109 : i32 to index
        %get3A_112 = arith.constant 0 : index
        %get3A_113 = tpu.vector_load %arg9[%get3A_110, %get3A_111, %get3A_112] {strides = array<i32>} : memref<256x8x16xf32, #tpu.memory_space<vmem>>, vector<1x1x16xf32>,
        %get3A_114 = vector.shape_cast %get3A_113 : vector<1x1x16xf32> to vector<16xf32>
        %swap3A_115 = arith.index_cast %add3A_93 : i32 to index
        %swap3A_116 = arith.constant 0 : index
        %swap3A_117 = tpu.vector_load %arg11[%swap3A_115, %swap3A_116] {strides = array<i32>} : memref<1026x16xf32, #tpu.memory_space<vmem>>, vector<1x16xf32>,
        %swap3A_118 = vector.shape_cast %swap3A_117 : vector<1x16xf32> to vector<16xf32>
        %swap3A_119 = vector.shape_cast %get3A_114 : vector<16xf32> to vector<1x16xf32>
        tpu.vector_store %arg11[%swap3A_115, %swap3A_116], %swap3A_119 {strides = array<i32>} : memref<1026x16xf32, #tpu.memory_space<vmem>>, vector<1x16xf32>,
        %mul3A_120 = arith.constant 8 : i32
        %mul3A_121 = arith.muli %mul3A_120, %scan3A_86 : i32
        %add3A_122 = arith.constant 1 : i32
        %add3A_123 = arith.addi %add3A_122, %mul3A_121 : i32
        %add3A_124 = arith.constant 1 : i32
        %add3A_125 = arith.addi %add3A_123, %add3A_124 : i32
        %mul3A_126 = arith.constant 2 : i32
        %mul3A_127 = arith.muli %mul3A_126, %scan3A_86 : i32
        %add3A_128 = arith.constant 0 : i32
        %add3A_129 = arith.addi %mul3A_127, %add3A_128 : i32
        %get3A_130 = arith.constant 3 : i32
        %get3A_131 = arith.index_cast %add3A_129 : i32 to index
        %get3A_132 = arith.index_cast %get3A_130 : i32 to index
        %get3A_133 = arith.constant 0 : index
        %get3A_134 = tpu.vector_load %arg8[%get3A_131, %get3A_132, %get3A_133] {strides = array<i32>} : memref<256x8x16xf32, #tpu.memory_space<vmem>>, vector<1x1x16xf32>,
        %get3A_135 = vector.shape_cast %get3A_134 : vector<1x1x16xf32> to vector<16xf32>
        %swap3A_136 = arith.index_cast %add3A_125 : i32 to index
        %swap3A_137 = arith.constant 0 : index
        %swap3A_138 = tpu.vector_load %arg10[%swap3A_136, %swap3A_137] {strides = array<i32>} : memref<1026x16xf32, #tpu.memory_space<vmem>>, vector<1x16xf32>,
        %swap3A_139 = vector.shape_cast %swap3A_138 : vector<1x16xf32> to vector<16xf32>
        %swap3A_140 = vector.shape_cast %get3A_135 : vector<16xf32> to vector<1x16xf32>
        tpu.vector_store %arg10[%swap3A_136, %swap3A_137], %swap3A_140 {strides = array<i32>} : memref<1026x16xf32, #tpu.memory_space<vmem>>, vector<1x16xf32>,
        %get3A_141 = arith.constant 3 : i32
        %get3A_142 = arith.index_cast %add3A_129 : i32 to index
        %get3A_143 = arith.index_cast %get3A_141 : i32 to index
        %get3A_144 = arith.constant 0 : index
        %get3A_145 = tpu.vector_load %arg9[%get3A_142, %get3A_143, %get3A_144] {strides = array<i32>} : memref<256x8x16xf32, #tpu.memory_space<vmem>>, vector<1x1x16xf32>,
        %get3A_146 = vector.shape_cast %get3A_145 : vector<1x1x16xf32> to vector<16xf32>
        %swap3A_147 = arith.index_cast %add3A_125 : i32 to index
        %swap3A_148 = arith.constant 0 : index
        %swap3A_149 = tpu.vector_load %arg11[%swap3A_147, %swap3A_148] {strides = array<i32>} : memref<1026x16xf32, #tpu.memory_space<vmem>>, vector<1x16xf32>,
        %swap3A_150 = vector.shape_cast %swap3A_149 : vector<1x16xf32> to vector<16xf32>
        %swap3A_151 = vector.shape_cast %get3A_146 : vector<16xf32> to vector<1x16xf32>
        tpu.vector_store %arg11[%swap3A_147, %swap3A_148], %swap3A_151 {strides = array<i32>} : memref<1026x16xf32, #tpu.memory_space<vmem>>, vector<1x16xf32>,
        %mul3A_152 = arith.constant 8 : i32
        %mul3A_153 = arith.muli %mul3A_152, %scan3A_86 : i32
        %add3A_154 = arith.constant 1 : i32
        %add3A_155 = arith.addi %add3A_154, %mul3A_153 : i32
        %add3A_156 = arith.constant 2 : i32
        %add3A_157 = arith.addi %add3A_155, %add3A_156 : i32
        %mul3A_158 = arith.constant 2 : i32
        %mul3A_159 = arith.muli %mul3A_158, %scan3A_86 : i32
        %add3A_160 = arith.constant 0 : i32
        %add3A_161 = arith.addi %mul3A_159, %add3A_160 : i32
        %get3A_162 = arith.constant 5 : i32
        %get3A_163 = arith.index_cast %add3A_161 : i32 to index
        %get3A_164 = arith.index_cast %get3A_162 : i32 to index
        %get3A_165 = arith.constant 0 : index
        %get3A_166 = tpu.vector_load %arg8[%get3A_163, %get3A_164, %get3A_165] {strides = array<i32>} : memref<256x8x16xf32, #tpu.memory_space<vmem>>, vector<1x1x16xf32>,
        %get3A_167 = vector.shape_cast %get3A_166 : vector<1x1x16xf32> to vector<16xf32>
        %swap3A_168 = arith.index_cast %add3A_157 : i32 to index
        %swap3A_169 = arith.constant 0 : index
        %swap3A_170 = tpu.vector_load %arg10[%swap3A_168, %swap3A_169] {strides = array<i32>} : memref<1026x16xf32, #tpu.memory_space<vmem>>, vector<1x16xf32>,
        %swap3A_171 = vector.shape_cast %swap3A_170 : vector<1x16xf32> to vector<16xf32>
        %swap3A_172 = vector.shape_cast %get3A_167 : vector<16xf32> to vector<1x16xf32>
        tpu.vector_store %arg10[%swap3A_168, %swap3A_169], %swap3A_172 {strides = array<i32>} : memref<1026x16xf32, #tpu.memory_space<vmem>>, vector<1x16xf32>,
        %get3A_173 = arith.constant 5 : i32
        %get3A_174 = arith.index_cast %add3A_161 : i32 to index
        %get3A_175 = arith.index_cast %get3A_173 : i32 to index
        %get3A_176 = arith.constant 0 : index
        %get3A_177 = tpu.vector_load %arg9[%get3A_174, %get3A_175, %get3A_176] {strides = array<i32>} : memref<256x8x16xf32, #tpu.memory_space<vmem>>, vector<1x1x16xf32>,
        %get3A_178 = vector.shape_cast %get3A_177 : vector<1x1x16xf32> to vector<16xf32>
        %swap3A_179 = arith.index_cast %add3A_157 : i32 to index
        %swap3A_180 = arith.constant 0 : index
        %swap3A_181 = tpu.vector_load %arg11[%swap3A_179, %swap3A_180] {strides = array<i32>} : memref<1026x16xf32, #tpu.memory_space<vmem>>, vector<1x16xf32>,
        %swap3A_182 = vector.shape_cast %swap3A_181 : vector<1x16xf32> to vector<16xf32>
        %swap3A_183 = vector.shape_cast %get3A_178 : vector<16xf32> to vector<1x16xf32>
        tpu.vector_store %arg11[%swap3A_179, %swap3A_180], %swap3A_183 {strides = array<i32>} : memref<1026x16xf32, #tpu.memory_space<vmem>>, vector<1x16xf32>,
        %mul3A_184 = arith.constant 8 : i32
        %mul3A_185 = arith.muli %mul3A_184, %scan3A_86 : i32
        %add3A_186 = arith.constant 1 : i32
        %add3A_187 = arith.addi %add3A_186, %mul3A_185 : i32
        %add3A_188 = arith.constant 3 : i32
        %add3A_189 = arith.addi %add3A_187, %add3A_188 : i32
        %mul3A_190 = arith.constant 2 : i32
        %mul3A_191 = arith.muli %mul3A_190, %scan3A_86 : i32
        %add3A_192 = arith.constant 0 : i32
        %add3A_193 = arith.addi %mul3A_191, %add3A_192 : i32
        %get3A_194 = arith.constant 7 : i32
        %get3A_195 = arith.index_cast %add3A_193 : i32 to index
        %get3A_196 = arith.index_cast %get3A_194 : i32 to index
        %get3A_197 = arith.constant 0 : index
        %get3A_198 = tpu.vector_load %arg8[%get3A_195, %get3A_196, %get3A_197] {strides = array<i32>} : memref<256x8x16xf32, #tpu.memory_space<vmem>>, vector<1x1x16xf32>,
        %get3A_199 = vector.shape_cast %get3A_198 : vector<1x1x16xf32> to vector<16xf32>
        %swap3A_200 = arith.index_cast %add3A_189 : i32 to index
        %swap3A_201 = arith.constant 0 : index
        %swap3A_202 = tpu.vector_load %arg10[%swap3A_200, %swap3A_201] {strides = array<i32>} : memref<1026x16xf32, #tpu.memory_space<vmem>>, vector<1x16xf32>,
        %swap3A_203 = vector.shape_cast %swap3A_202 : vector<1x16xf32> to vector<16xf32>
        %swap3A_204 = vector.shape_cast %get3A_199 : vector<16xf32> to vector<1x16xf32>
        tpu.vector_store %arg10[%swap3A_200, %swap3A_201], %swap3A_204 {strides = array<i32>} : memref<1026x16xf32, #tpu.memory_space<vmem>>, vector<1x16xf32>,
        %get3A_205 = arith.constant 7 : i32
        %get3A_206 = arith.index_cast %add3A_193 : i32 to index
        %get3A_207 = arith.index_cast %get3A_205 : i32 to index
        %get3A_208 = arith.constant 0 : index
        %get3A_209 = tpu.vector_load %arg9[%get3A_206, %get3A_207, %get3A_208] {strides = array<i32>} : memref<256x8x16xf32, #tpu.memory_space<vmem>>, vector<1x1x16xf32>,
        %get3A_210 = vector.shape_cast %get3A_209 : vector<1x1x16xf32> to vector<16xf32>
        %swap3A_211 = arith.index_cast %add3A_189 : i32 to index
        %swap3A_212 = arith.constant 0 : index
        %swap3A_213 = tpu.vector_load %arg11[%swap3A_211, %swap3A_212] {strides = array<i32>} : memref<1026x16xf32, #tpu.memory_space<vmem>>, vector<1x16xf32>,
        %swap3A_214 = vector.shape_cast %swap3A_213 : vector<1x16xf32> to vector<16xf32>
        %swap3A_215 = vector.shape_cast %get3A_210 : vector<16xf32> to vector<1x16xf32>
        tpu.vector_store %arg11[%swap3A_211, %swap3A_212], %swap3A_215 {strides = array<i32>} : memref<1026x16xf32, #tpu.memory_space<vmem>>, vector<1x16xf32>,
        %mul3A_216 = arith.constant 8 : i32
        %mul3A_217 = arith.muli %mul3A_216, %scan3A_86 : i32
        %add3A_218 = arith.constant 1 : i32
        %add3A_219 = arith.addi %add3A_218, %mul3A_217 : i32
        %add3A_220 = arith.constant 4 : i32
        %add3A_221 = arith.addi %add3A_219, %add3A_220 : i32
        %mul3A_222 = arith.constant 2 : i32
        %mul3A_223 = arith.muli %mul3A_222, %scan3A_86 : i32
        %add3A_224 = arith.constant 1 : i32
        %add3A_225 = arith.addi %mul3A_223, %add3A_224 : i32
        %get3A_226 = arith.constant 1 : i32
        %get3A_227 = arith.index_cast %add3A_225 : i32 to index
        %get3A_228 = arith.index_cast %get3A_226 : i32 to index
        %get3A_229 = arith.constant 0 : index
        %get3A_230 = tpu.vector_load %arg8[%get3A_227, %get3A_228, %get3A_229] {strides = array<i32>} : memref<256x8x16xf32, #tpu.memory_space<vmem>>, vector<1x1x16xf32>,
        %get3A_231 = vector.shape_cast %get3A_230 : vector<1x1x16xf32> to vector<16xf32>
        %swap3A_232 = arith.index_cast %add3A_221 : i32 to index
        %swap3A_233 = arith.constant 0 : index
        %swap3A_234 = tpu.vector_load %arg10[%swap3A_232, %swap3A_233] {strides = array<i32>} : memref<1026x16xf32, #tpu.memory_space<vmem>>, vector<1x16xf32>,
        %swap3A_235 = vector.shape_cast %swap3A_234 : vector<1x16xf32> to vector<16xf32>
        %swap3A_236 = vector.shape_cast %get3A_231 : vector<16xf32> to vector<1x16xf32>
        tpu.vector_store %arg10[%swap3A_232, %swap3A_233], %swap3A_236 {strides = array<i32>} : memref<1026x16xf32, #tpu.memory_space<vmem>>, vector<1x16xf32>,
        %get3A_237 = arith.constant 1 : i32
        %get3A_238 = arith.index_cast %add3A_225 : i32 to index
        %get3A_239 = arith.index_cast %get3A_237 : i32 to index
        %get3A_240 = arith.constant 0 : index
        %get3A_241 = tpu.vector_load %arg9[%get3A_238, %get3A_239, %get3A_240] {strides = array<i32>} : memref<256x8x16xf32, #tpu.memory_space<vmem>>, vector<1x1x16xf32>,
        %get3A_242 = vector.shape_cast %get3A_241 : vector<1x1x16xf32> to vector<16xf32>
        %swap3A_243 = arith.index_cast %add3A_221 : i32 to index
        %swap3A_244 = arith.constant 0 : index
        %swap3A_245 = tpu.vector_load %arg11[%swap3A_243, %swap3A_244] {strides = array<i32>} : memref<1026x16xf32, #tpu.memory_space<vmem>>, vector<1x16xf32>,
        %swap3A_246 = vector.shape_cast %swap3A_245 : vector<1x16xf32> to vector<16xf32>
        %swap3A_247 = vector.shape_cast %get3A_242 : vector<16xf32> to vector<1x16xf32>
        tpu.vector_store %arg11[%swap3A_243, %swap3A_244], %swap3A_247 {strides = array<i32>} : memref<1026x16xf32, #tpu.memory_space<vmem>>, vector<1x16xf32>,
        %mul3A_248 = arith.constant 8 : i32
        %mul3A_249 = arith.muli %mul3A_248, %scan3A_86 : i32
        %add3A_250 = arith.constant 1 : i32
        %add3A_251 = arith.addi %add3A_250, %mul3A_249 : i32
        %add3A_252 = arith.constant 5 : i32
        %add3A_253 = arith.addi %add3A_251, %add3A_252 : i32
        %mul3A_254 = arith.constant 2 : i32
        %mul3A_255 = arith.muli %mul3A_254, %scan3A_86 : i32
        %add3A_256 = arith.constant 1 : i32
        %add3A_257 = arith.addi %mul3A_255, %add3A_256 : i32
        %get3A_258 = arith.constant 3 : i32
        %get3A_259 = arith.index_cast %add3A_257 : i32 to index
        %get3A_260 = arith.index_cast %get3A_258 : i32 to index
        %get3A_261 = arith.constant 0 : index
        %get3A_262 = tpu.vector_load %arg8[%get3A_259, %get3A_260, %get3A_261] {strides = array<i32>} : memref<256x8x16xf32, #tpu.memory_space<vmem>>, vector<1x1x16xf32>,
        %get3A_263 = vector.shape_cast %get3A_262 : vector<1x1x16xf32> to vector<16xf32>
        %swap3A_264 = arith.index_cast %add3A_253 : i32 to index
        %swap3A_265 = arith.constant 0 : index
        %swap3A_266 = tpu.vector_load %arg10[%swap3A_264, %swap3A_265] {strides = array<i32>} : memref<1026x16xf32, #tpu.memory_space<vmem>>, vector<1x16xf32>,
        %swap3A_267 = vector.shape_cast %swap3A_266 : vector<1x16xf32> to vector<16xf32>
        %swap3A_268 = vector.shape_cast %get3A_263 : vector<16xf32> to vector<1x16xf32>
        tpu.vector_store %arg10[%swap3A_264, %swap3A_265], %swap3A_268 {strides = array<i32>} : memref<1026x16xf32, #tpu.memory_space<vmem>>, vector<1x16xf32>,
        %get3A_269 = arith.constant 3 : i32
        %get3A_270 = arith.index_cast %add3A_257 : i32 to index
        %get3A_271 = arith.index_cast %get3A_269 : i32 to index
        %get3A_272 = arith.constant 0 : index
        %get3A_273 = tpu.vector_load %arg9[%get3A_270, %get3A_271, %get3A_272] {strides = array<i32>} : memref<256x8x16xf32, #tpu.memory_space<vmem>>, vector<1x1x16xf32>,
        %get3A_274 = vector.shape_cast %get3A_273 : vector<1x1x16xf32> to vector<16xf32>
        %swap3A_275 = arith.index_cast %add3A_253 : i32 to index
        %swap3A_276 = arith.constant 0 : index
        %swap3A_277 = tpu.vector_load %arg11[%swap3A_275, %swap3A_276] {strides = array<i32>} : memref<1026x16xf32, #tpu.memory_space<vmem>>, vector<1x16xf32>,
        %swap3A_278 = vector.shape_cast %swap3A_277 : vector<1x16xf32> to vector<16xf32>
        %swap3A_279 = vector.shape_cast %get3A_274 : vector<16xf32> to vector<1x16xf32>
        tpu.vector_store %arg11[%swap3A_275, %swap3A_276], %swap3A_279 {strides = array<i32>} : memref<1026x16xf32, #tpu.memory_space<vmem>>, vector<1x16xf32>,
        %mul3A_280 = arith.constant 8 : i32
        %mul3A_281 = arith.muli %mul3A_280, %scan3A_86 : i32
        %add3A_282 = arith.constant 1 : i32
        %add3A_283 = arith.addi %add3A_282, %mul3A_281 : i32
        %add3A_284 = arith.constant 6 : i32
        %add3A_285 = arith.addi %add3A_283, %add3A_284 : i32
        %mul3A_286 = arith.constant 2 : i32
        %mul3A_287 = arith.muli %mul3A_286, %scan3A_86 : i32
        %add3A_288 = arith.constant 1 : i32
        %add3A_289 = arith.addi %mul3A_287, %add3A_288 : i32
        %get3A_290 = arith.constant 5 : i32
        %get3A_291 = arith.index_cast %add3A_289 : i32 to index
        %get3A_292 = arith.index_cast %get3A_290 : i32 to index
        %get3A_293 = arith.constant 0 : index
        %get3A_294 = tpu.vector_load %arg8[%get3A_291, %get3A_292, %get3A_293] {strides = array<i32>} : memref<256x8x16xf32, #tpu.memory_space<vmem>>, vector<1x1x16xf32>,
        %get3A_295 = vector.shape_cast %get3A_294 : vector<1x1x16xf32> to vector<16xf32>
        %swap3A_296 = arith.index_cast %add3A_285 : i32 to index
        %swap3A_297 = arith.constant 0 : index
        %swap3A_298 = tpu.vector_load %arg10[%swap3A_296, %swap3A_297] {strides = array<i32>} : memref<1026x16xf32, #tpu.memory_space<vmem>>, vector<1x16xf32>,
        %swap3A_299 = vector.shape_cast %swap3A_298 : vector<1x16xf32> to vector<16xf32>
        %swap3A_300 = vector.shape_cast %get3A_295 : vector<16xf32> to vector<1x16xf32>
        tpu.vector_store %arg10[%swap3A_296, %swap3A_297], %swap3A_300 {strides = array<i32>} : memref<1026x16xf32, #tpu.memory_space<vmem>>, vector<1x16xf32>,
        %get3A_301 = arith.constant 5 : i32
        %get3A_302 = arith.index_cast %add3A_289 : i32 to index
        %get3A_303 = arith.index_cast %get3A_301 : i32 to index
        %get3A_304 = arith.constant 0 : index
        %get3A_305 = tpu.vector_load %arg9[%get3A_302, %get3A_303, %get3A_304] {strides = array<i32>} : memref<256x8x16xf32, #tpu.memory_space<vmem>>, vector<1x1x16xf32>,
        %get3A_306 = vector.shape_cast %get3A_305 : vector<1x1x16xf32> to vector<16xf32>
        %swap3A_307 = arith.index_cast %add3A_285 : i32 to index
        %swap3A_308 = arith.constant 0 : index
        %swap3A_309 = tpu.vector_load %arg11[%swap3A_307, %swap3A_308] {strides = array<i32>} : memref<1026x16xf32, #tpu.memory_space<vmem>>, vector<1x16xf32>,
        %swap3A_310 = vector.shape_cast %swap3A_309 : vector<1x16xf32> to vector<16xf32>
        %swap3A_311 = vector.shape_cast %get3A_306 : vector<16xf32> to vector<1x16xf32>
        tpu.vector_store %arg11[%swap3A_307, %swap3A_308], %swap3A_311 {strides = array<i32>} : memref<1026x16xf32, #tpu.memory_space<vmem>>, vector<1x16xf32>,
        %mul3A_312 = arith.constant 8 : i32
        %mul3A_313 = arith.muli %mul3A_312, %scan3A_86 : i32
        %add3A_314 = arith.constant 1 : i32
        %add3A_315 = arith.addi %add3A_314, %mul3A_313 : i32
        %add3A_316 = arith.constant 7 : i32
        %add3A_317 = arith.addi %add3A_315, %add3A_316 : i32
        %mul3A_318 = arith.constant 2 : i32
        %mul3A_319 = arith.muli %mul3A_318, %scan3A_86 : i32
        %add3A_320 = arith.constant 1 : i32
        %add3A_321 = arith.addi %mul3A_319, %add3A_320 : i32
        %get3A_322 = arith.constant 7 : i32
        %get3A_323 = arith.index_cast %add3A_321 : i32 to index
        %get3A_324 = arith.index_cast %get3A_322 : i32 to index
        %get3A_325 = arith.constant 0 : index
        %get3A_326 = tpu.vector_load %arg8[%get3A_323, %get3A_324, %get3A_325] {strides = array<i32>} : memref<256x8x16xf32, #tpu.memory_space<vmem>>, vector<1x1x16xf32>,
        %get3A_327 = vector.shape_cast %get3A_326 : vector<1x1x16xf32> to vector<16xf32>
        %swap3A_328 = arith.index_cast %add3A_317 : i32 to index
        %swap3A_329 = arith.constant 0 : index
        %swap3A_330 = tpu.vector_load %arg10[%swap3A_328, %swap3A_329] {strides = array<i32>} : memref<1026x16xf32, #tpu.memory_space<vmem>>, vector<1x16xf32>,
        %swap3A_331 = vector.shape_cast %swap3A_330 : vector<1x16xf32> to vector<16xf32>
        %swap3A_332 = vector.shape_cast %get3A_327 : vector<16xf32> to vector<1x16xf32>
        tpu.vector_store %arg10[%swap3A_328, %swap3A_329], %swap3A_332 {strides = array<i32>} : memref<1026x16xf32, #tpu.memory_space<vmem>>, vector<1x16xf32>,
        %get3A_333 = arith.constant 7 : i32
        %get3A_334 = arith.index_cast %add3A_321 : i32 to index
        %get3A_335 = arith.index_cast %get3A_333 : i32 to index
        %get3A_336 = arith.constant 0 : index
        %get3A_337 = tpu.vector_load %arg9[%get3A_334, %get3A_335, %get3A_336] {strides = array<i32>} : memref<256x8x16xf32, #tpu.memory_space<vmem>>, vector<1x1x16xf32>,
        %get3A_338 = vector.shape_cast %get3A_337 : vector<1x1x16xf32> to vector<16xf32>
        %swap3A_339 = arith.index_cast %add3A_317 : i32 to index
        %swap3A_340 = arith.constant 0 : index
        %swap3A_341 = tpu.vector_load %arg11[%swap3A_339, %swap3A_340] {strides = array<i32>} : memref<1026x16xf32, #tpu.memory_space<vmem>>, vector<1x16xf32>,
        %swap3A_342 = vector.shape_cast %swap3A_341 : vector<1x16xf32> to vector<16xf32>
        %swap3A_343 = vector.shape_cast %get3A_338 : vector<16xf32> to vector<1x16xf32>
        tpu.vector_store %arg11[%swap3A_339, %swap3A_340], %swap3A_343 {strides = array<i32>} : memref<1026x16xf32, #tpu.memory_space<vmem>>, vector<1x16xf32>,
        %scan3A_344 = arith.constant 0 : i32
        scf.yield %scan3A_344 : i32
      }
      %scan3A_69 = arith.constant 128 : i32
      %scan3A_70 = arith.constant 0 : i32
      %scan3A_71 = arith.constant 0 : i32
      %scan3A_72 = arith.constant 128 : i32
      %scan3A_73 = arith.addi %scan3A_71, %scan3A_72 : i32
      %scan3A_74 = arith.constant 1 : i32
      %scan3A_75 = scf.for %scan3A_86 = %scan3A_71 to %scan3A_73 step %scan3A_74 iter_args(%scan3A_87 = %scan3A_70) -> (i32)  : i32 {
        %mul3A_88 = arith.constant 16 : i32
        %mul3A_89 = arith.muli %scan3A_86, %mul3A_88 : i32
        %get3A_90 = arith.index_cast %mul3A_89 : i32 to index
        %get3A_91 = tpu.vector_load %arg6[%get3A_90] {strides = array<i32>} : memref<2048xi32, #tpu.memory_space<vmem>>, vector<16xi32>,
        %get3A_92 = vector.shape_cast %get3A_91 : vector<16xi32> to vector<16xi32>
        %slice3A = vector.extract_strided_slice %get3A_92 {offsets = [0], sizes = [1], strides = [1]} : vector<16xi32> to vector<1xi32>
        %squeeze3A = vector.extract %slice3A[0] : i32 from vector<1xi32>
        %mul3A_93 = arith.constant 2 : i32
        %mul3A_94 = arith.muli %mul3A_93, %scan3A_86 : i32
        %add3A_95 = arith.constant 0 : i32
        %add3A_96 = arith.addi %mul3A_94, %add3A_95 : i32
        %get3A_97 = arith.index_cast %squeeze3A : i32 to index
        %get3A_98 = arith.constant 0 : index
        %get3A_99 = tpu.vector_load %arg10[%get3A_97, %get3A_98] {strides = array<i32>} : memref<1026x16xf32, #tpu.memory_space<vmem>>, vector<1x16xf32>,
        %get3A_100 = vector.shape_cast %get3A_99 : vector<1x16xf32> to vector<16xf32>
        %get3A_101 = arith.constant 0 : i32
        %get3A_102 = arith.index_cast %add3A_96 : i32 to index
        %get3A_103 = arith.index_cast %get3A_101 : i32 to index
        %get3A_104 = arith.constant 0 : index
        %get3A_105 = tpu.vector_load %arg8[%get3A_102, %get3A_103, %get3A_104] {strides = array<i32>} : memref<256x8x16xf32, #tpu.memory_space<vmem>>, vector<1x1x16xf32>,
        %get3A_106 = vector.shape_cast %get3A_105 : vector<1x1x16xf32> to vector<16xf32>
        %add3A_107 = arith.addf %get3A_100, %get3A_106 : vector<16xf32>
        %swap3A_108 = arith.index_cast %squeeze3A : i32 to index
        %swap3A_109 = arith.constant 0 : index
        %swap3A_110 = tpu.vector_load %arg10[%swap3A_108, %swap3A_109] {strides = array<i32>} : memref<1026x16xf32, #tpu.memory_space<vmem>>, vector<1x16xf32>,
        %swap3A_111 = vector.shape_cast %swap3A_110 : vector<1x16xf32> to vector<16xf32>
        %swap3A_112 = vector.shape_cast %add3A_107 : vector<16xf32> to vector<1x16xf32>
        tpu.vector_store %arg10[%swap3A_108, %swap3A_109], %swap3A_112 {strides = array<i32>} : memref<1026x16xf32, #tpu.memory_space<vmem>>, vector<1x16xf32>,
        %get3A_113 = arith.index_cast %squeeze3A : i32 to index
        %get3A_114 = arith.constant 0 : index
        %get3A_115 = tpu.vector_load %arg11[%get3A_113, %get3A_114] {strides = array<i32>} : memref<1026x16xf32, #tpu.memory_space<vmem>>, vector<1x16xf32>,
        %get3A_116 = vector.shape_cast %get3A_115 : vector<1x16xf32> to vector<16xf32>
        %get3A_117 = arith.constant 0 : i32
        %get3A_118 = arith.index_cast %add3A_96 : i32 to index
        %get3A_119 = arith.index_cast %get3A_117 : i32 to index
        %get3A_120 = arith.constant 0 : index
        %get3A_121 = tpu.vector_load %arg9[%get3A_118, %get3A_119, %get3A_120] {strides = array<i32>} : memref<256x8x16xf32, #tpu.memory_space<vmem>>, vector<1x1x16xf32>,
        %get3A_122 = vector.shape_cast %get3A_121 : vector<1x1x16xf32> to vector<16xf32>
        %add3A_123 = arith.addf %get3A_116, %get3A_122 : vector<16xf32>
        %swap3A_124 = arith.index_cast %squeeze3A : i32 to index
        %swap3A_125 = arith.constant 0 : index
        %swap3A_126 = tpu.vector_load %arg11[%swap3A_124, %swap3A_125] {strides = array<i32>} : memref<1026x16xf32, #tpu.memory_space<vmem>>, vector<1x16xf32>,
        %swap3A_127 = vector.shape_cast %swap3A_126 : vector<1x16xf32> to vector<16xf32>
        %swap3A_128 = vector.shape_cast %add3A_123 : vector<16xf32> to vector<1x16xf32>
        tpu.vector_store %arg11[%swap3A_124, %swap3A_125], %swap3A_128 {strides = array<i32>} : memref<1026x16xf32, #tpu.memory_space<vmem>>, vector<1x16xf32>,
        %slice3A_129 = vector.extract_strided_slice %get3A_92 {offsets = [2], sizes = [1], strides = [1]} : vector<16xi32> to vector<1xi32>
        %squeeze3A_130 = vector.extract %slice3A_129[0] : i32 from vector<1xi32>
        %mul3A_131 = arith.constant 2 : i32
        %mul3A_132 = arith.muli %mul3A_131, %scan3A_86 : i32
        %add3A_133 = arith.constant 0 : i32
        %add3A_134 = arith.addi %mul3A_132, %add3A_133 : i32
        %get3A_135 = arith.index_cast %squeeze3A_130 : i32 to index
        %get3A_136 = arith.constant 0 : index
        %get3A_137 = tpu.vector_load %arg10[%get3A_135, %get3A_136] {strides = array<i32>} : memref<1026x16xf32, #tpu.memory_space<vmem>>, vector<1x16xf32>,
        %get3A_138 = vector.shape_cast %get3A_137 : vector<1x16xf32> to vector<16xf32>
        %get3A_139 = arith.constant 2 : i32
        %get3A_140 = arith.index_cast %add3A_134 : i32 to index
        %get3A_141 = arith.index_cast %get3A_139 : i32 to index
        %get3A_142 = arith.constant 0 : index
        %get3A_143 = tpu.vector_load %arg8[%get3A_140, %get3A_141, %get3A_142] {strides = array<i32>} : memref<256x8x16xf32, #tpu.memory_space<vmem>>, vector<1x1x16xf32>,
        %get3A_144 = vector.shape_cast %get3A_143 : vector<1x1x16xf32> to vector<16xf32>
        %add3A_145 = arith.addf %get3A_138, %get3A_144 : vector<16xf32>
        %swap3A_146 = arith.index_cast %squeeze3A_130 : i32 to index
        %swap3A_147 = arith.constant 0 : index
        %swap3A_148 = tpu.vector_load %arg10[%swap3A_146, %swap3A_147] {strides = array<i32>} : memref<1026x16xf32, #tpu.memory_space<vmem>>, vector<1x16xf32>,
        %swap3A_149 = vector.shape_cast %swap3A_148 : vector<1x16xf32> to vector<16xf32>
        %swap3A_150 = vector.shape_cast %add3A_145 : vector<16xf32> to vector<1x16xf32>
        tpu.vector_store %arg10[%swap3A_146, %swap3A_147], %swap3A_150 {strides = array<i32>} : memref<1026x16xf32, #tpu.memory_space<vmem>>, vector<1x16xf32>,
        %get3A_151 = arith.index_cast %squeeze3A_130 : i32 to index
        %get3A_152 = arith.constant 0 : index
        %get3A_153 = tpu.vector_load %arg11[%get3A_151, %get3A_152] {strides = array<i32>} : memref<1026x16xf32, #tpu.memory_space<vmem>>, vector<1x16xf32>,
        %get3A_154 = vector.shape_cast %get3A_153 : vector<1x16xf32> to vector<16xf32>
        %get3A_155 = arith.constant 2 : i32
        %get3A_156 = arith.index_cast %add3A_134 : i32 to index
        %get3A_157 = arith.index_cast %get3A_155 : i32 to index
        %get3A_158 = arith.constant 0 : index
        %get3A_159 = tpu.vector_load %arg9[%get3A_156, %get3A_157, %get3A_158] {strides = array<i32>} : memref<256x8x16xf32, #tpu.memory_space<vmem>>, vector<1x1x16xf32>,
        %get3A_160 = vector.shape_cast %get3A_159 : vector<1x1x16xf32> to vector<16xf32>
        %add3A_161 = arith.addf %get3A_154, %get3A_160 : vector<16xf32>
        %swap3A_162 = arith.index_cast %squeeze3A_130 : i32 to index
        %swap3A_163 = arith.constant 0 : index
        %swap3A_164 = tpu.vector_load %arg11[%swap3A_162, %swap3A_163] {strides = array<i32>} : memref<1026x16xf32, #tpu.memory_space<vmem>>, vector<1x16xf32>,
        %swap3A_165 = vector.shape_cast %swap3A_164 : vector<1x16xf32> to vector<16xf32>
        %swap3A_166 = vector.shape_cast %add3A_161 : vector<16xf32> to vector<1x16xf32>
        tpu.vector_store %arg11[%swap3A_162, %swap3A_163], %swap3A_166 {strides = array<i32>} : memref<1026x16xf32, #tpu.memory_space<vmem>>, vector<1x16xf32>,
        %slice3A_167 = vector.extract_strided_slice %get3A_92 {offsets = [4], sizes = [1], strides = [1]} : vector<16xi32> to vector<1xi32>
        %squeeze3A_168 = vector.extract %slice3A_167[0] : i32 from vector<1xi32>
        %mul3A_169 = arith.constant 2 : i32
        %mul3A_170 = arith.muli %mul3A_169, %scan3A_86 : i32
        %add3A_171 = arith.constant 0 : i32
        %add3A_172 = arith.addi %mul3A_170, %add3A_171 : i32
        %get3A_173 = arith.index_cast %squeeze3A_168 : i32 to index
        %get3A_174 = arith.constant 0 : index
        %get3A_175 = tpu.vector_load %arg10[%get3A_173, %get3A_174] {strides = array<i32>} : memref<1026x16xf32, #tpu.memory_space<vmem>>, vector<1x16xf32>,
        %get3A_176 = vector.shape_cast %get3A_175 : vector<1x16xf32> to vector<16xf32>
        %get3A_177 = arith.constant 4 : i32
        %get3A_178 = arith.index_cast %add3A_172 : i32 to index
        %get3A_179 = arith.index_cast %get3A_177 : i32 to index
        %get3A_180 = arith.constant 0 : index
        %get3A_181 = tpu.vector_load %arg8[%get3A_178, %get3A_179, %get3A_180] {strides = array<i32>} : memref<256x8x16xf32, #tpu.memory_space<vmem>>, vector<1x1x16xf32>,
        %get3A_182 = vector.shape_cast %get3A_181 : vector<1x1x16xf32> to vector<16xf32>
        %add3A_183 = arith.addf %get3A_176, %get3A_182 : vector<16xf32>
        %swap3A_184 = arith.index_cast %squeeze3A_168 : i32 to index
        %swap3A_185 = arith.constant 0 : index
        %swap3A_186 = tpu.vector_load %arg10[%swap3A_184, %swap3A_185] {strides = array<i32>} : memref<1026x16xf32, #tpu.memory_space<vmem>>, vector<1x16xf32>,
        %swap3A_187 = vector.shape_cast %swap3A_186 : vector<1x16xf32> to vector<16xf32>
        %swap3A_188 = vector.shape_cast %add3A_183 : vector<16xf32> to vector<1x16xf32>
        tpu.vector_store %arg10[%swap3A_184, %swap3A_185], %swap3A_188 {strides = array<i32>} : memref<1026x16xf32, #tpu.memory_space<vmem>>, vector<1x16xf32>,
        %get3A_189 = arith.index_cast %squeeze3A_168 : i32 to index
        %get3A_190 = arith.constant 0 : index
        %get3A_191 = tpu.vector_load %arg11[%get3A_189, %get3A_190] {strides = array<i32>} : memref<1026x16xf32, #tpu.memory_space<vmem>>, vector<1x16xf32>,
        %get3A_192 = vector.shape_cast %get3A_191 : vector<1x16xf32> to vector<16xf32>
        %get3A_193 = arith.constant 4 : i32
        %get3A_194 = arith.index_cast %add3A_172 : i32 to index
        %get3A_195 = arith.index_cast %get3A_193 : i32 to index
        %get3A_196 = arith.constant 0 : index
        %get3A_197 = tpu.vector_load %arg9[%get3A_194, %get3A_195, %get3A_196] {strides = array<i32>} : memref<256x8x16xf32, #tpu.memory_space<vmem>>, vector<1x1x16xf32>,
        %get3A_198 = vector.shape_cast %get3A_197 : vector<1x1x16xf32> to vector<16xf32>
        %add3A_199 = arith.addf %get3A_192, %get3A_198 : vector<16xf32>
        %swap3A_200 = arith.index_cast %squeeze3A_168 : i32 to index
        %swap3A_201 = arith.constant 0 : index
        %swap3A_202 = tpu.vector_load %arg11[%swap3A_200, %swap3A_201] {strides = array<i32>} : memref<1026x16xf32, #tpu.memory_space<vmem>>, vector<1x16xf32>,
        %swap3A_203 = vector.shape_cast %swap3A_202 : vector<1x16xf32> to vector<16xf32>
        %swap3A_204 = vector.shape_cast %add3A_199 : vector<16xf32> to vector<1x16xf32>
        tpu.vector_store %arg11[%swap3A_200, %swap3A_201], %swap3A_204 {strides = array<i32>} : memref<1026x16xf32, #tpu.memory_space<vmem>>, vector<1x16xf32>,
        %slice3A_205 = vector.extract_strided_slice %get3A_92 {offsets = [6], sizes = [1], strides = [1]} : vector<16xi32> to vector<1xi32>
        %squeeze3A_206 = vector.extract %slice3A_205[0] : i32 from vector<1xi32>
        %mul3A_207 = arith.constant 2 : i32
        %mul3A_208 = arith.muli %mul3A_207, %scan3A_86 : i32
        %add3A_209 = arith.constant 0 : i32
        %add3A_210 = arith.addi %mul3A_208, %add3A_209 : i32
        %get3A_211 = arith.index_cast %squeeze3A_206 : i32 to index
        %get3A_212 = arith.constant 0 : index
        %get3A_213 = tpu.vector_load %arg10[%get3A_211, %get3A_212] {strides = array<i32>} : memref<1026x16xf32, #tpu.memory_space<vmem>>, vector<1x16xf32>,
        %get3A_214 = vector.shape_cast %get3A_213 : vector<1x16xf32> to vector<16xf32>
        %get3A_215 = arith.constant 6 : i32
        %get3A_216 = arith.index_cast %add3A_210 : i32 to index
        %get3A_217 = arith.index_cast %get3A_215 : i32 to index
        %get3A_218 = arith.constant 0 : index
        %get3A_219 = tpu.vector_load %arg8[%get3A_216, %get3A_217, %get3A_218] {strides = array<i32>} : memref<256x8x16xf32, #tpu.memory_space<vmem>>, vector<1x1x16xf32>,
        %get3A_220 = vector.shape_cast %get3A_219 : vector<1x1x16xf32> to vector<16xf32>
        %add3A_221 = arith.addf %get3A_214, %get3A_220 : vector<16xf32>
        %swap3A_222 = arith.index_cast %squeeze3A_206 : i32 to index
        %swap3A_223 = arith.constant 0 : index
        %swap3A_224 = tpu.vector_load %arg10[%swap3A_222, %swap3A_223] {strides = array<i32>} : memref<1026x16xf32, #tpu.memory_space<vmem>>, vector<1x16xf32>,
        %swap3A_225 = vector.shape_cast %swap3A_224 : vector<1x16xf32> to vector<16xf32>
        %swap3A_226 = vector.shape_cast %add3A_221 : vector<16xf32> to vector<1x16xf32>
        tpu.vector_store %arg10[%swap3A_222, %swap3A_223], %swap3A_226 {strides = array<i32>} : memref<1026x16xf32, #tpu.memory_space<vmem>>, vector<1x16xf32>,
        %get3A_227 = arith.index_cast %squeeze3A_206 : i32 to index
        %get3A_228 = arith.constant 0 : index
        %get3A_229 = tpu.vector_load %arg11[%get3A_227, %get3A_228] {strides = array<i32>} : memref<1026x16xf32, #tpu.memory_space<vmem>>, vector<1x16xf32>,
        %get3A_230 = vector.shape_cast %get3A_229 : vector<1x16xf32> to vector<16xf32>
        %get3A_231 = arith.constant 6 : i32
        %get3A_232 = arith.index_cast %add3A_210 : i32 to index
        %get3A_233 = arith.index_cast %get3A_231 : i32 to index
        %get3A_234 = arith.constant 0 : index
        %get3A_235 = tpu.vector_load %arg9[%get3A_232, %get3A_233, %get3A_234] {strides = array<i32>} : memref<256x8x16xf32, #tpu.memory_space<vmem>>, vector<1x1x16xf32>,
        %get3A_236 = vector.shape_cast %get3A_235 : vector<1x1x16xf32> to vector<16xf32>
        %add3A_237 = arith.addf %get3A_230, %get3A_236 : vector<16xf32>
        %swap3A_238 = arith.index_cast %squeeze3A_206 : i32 to index
        %swap3A_239 = arith.constant 0 : index
        %swap3A_240 = tpu.vector_load %arg11[%swap3A_238, %swap3A_239] {strides = array<i32>} : memref<1026x16xf32, #tpu.memory_space<vmem>>, vector<1x16xf32>,
        %swap3A_241 = vector.shape_cast %swap3A_240 : vector<1x16xf32> to vector<16xf32>
        %swap3A_242 = vector.shape_cast %add3A_237 : vector<16xf32> to vector<1x16xf32>
        tpu.vector_store %arg11[%swap3A_238, %swap3A_239], %swap3A_242 {strides = array<i32>} : memref<1026x16xf32, #tpu.memory_space<vmem>>, vector<1x16xf32>,
        %slice3A_243 = vector.extract_strided_slice %get3A_92 {offsets = [8], sizes = [1], strides = [1]} : vector<16xi32> to vector<1xi32>
        %squeeze3A_244 = vector.extract %slice3A_243[0] : i32 from vector<1xi32>
        %mul3A_245 = arith.constant 2 : i32
        %mul3A_246 = arith.muli %mul3A_245, %scan3A_86 : i32
        %add3A_247 = arith.constant 1 : i32
        %add3A_248 = arith.addi %mul3A_246, %add3A_247 : i32
        %get3A_249 = arith.index_cast %squeeze3A_244 : i32 to index
        %get3A_250 = arith.constant 0 : index
        %get3A_251 = tpu.vector_load %arg10[%get3A_249, %get3A_250] {strides = array<i32>} : memref<1026x16xf32, #tpu.memory_space<vmem>>, vector<1x16xf32>,
        %get3A_252 = vector.shape_cast %get3A_251 : vector<1x16xf32> to vector<16xf32>
        %get3A_253 = arith.constant 0 : i32
        %get3A_254 = arith.index_cast %add3A_248 : i32 to index
        %get3A_255 = arith.index_cast %get3A_253 : i32 to index
        %get3A_256 = arith.constant 0 : index
        %get3A_257 = tpu.vector_load %arg8[%get3A_254, %get3A_255, %get3A_256] {strides = array<i32>} : memref<256x8x16xf32, #tpu.memory_space<vmem>>, vector<1x1x16xf32>,
        %get3A_258 = vector.shape_cast %get3A_257 : vector<1x1x16xf32> to vector<16xf32>
        %add3A_259 = arith.addf %get3A_252, %get3A_258 : vector<16xf32>
        %swap3A_260 = arith.index_cast %squeeze3A_244 : i32 to index
        %swap3A_261 = arith.constant 0 : index
        %swap3A_262 = tpu.vector_load %arg10[%swap3A_260, %swap3A_261] {strides = array<i32>} : memref<1026x16xf32, #tpu.memory_space<vmem>>, vector<1x16xf32>,
        %swap3A_263 = vector.shape_cast %swap3A_262 : vector<1x16xf32> to vector<16xf32>
        %swap3A_264 = vector.shape_cast %add3A_259 : vector<16xf32> to vector<1x16xf32>
        tpu.vector_store %arg10[%swap3A_260, %swap3A_261], %swap3A_264 {strides = array<i32>} : memref<1026x16xf32, #tpu.memory_space<vmem>>, vector<1x16xf32>,
        %get3A_265 = arith.index_cast %squeeze3A_244 : i32 to index
        %get3A_266 = arith.constant 0 : index
        %get3A_267 = tpu.vector_load %arg11[%get3A_265, %get3A_266] {strides = array<i32>} : memref<1026x16xf32, #tpu.memory_space<vmem>>, vector<1x16xf32>,
        %get3A_268 = vector.shape_cast %get3A_267 : vector<1x16xf32> to vector<16xf32>
        %get3A_269 = arith.constant 0 : i32
        %get3A_270 = arith.index_cast %add3A_248 : i32 to index
        %get3A_271 = arith.index_cast %get3A_269 : i32 to index
        %get3A_272 = arith.constant 0 : index
        %get3A_273 = tpu.vector_load %arg9[%get3A_270, %get3A_271, %get3A_272] {strides = array<i32>} : memref<256x8x16xf32, #tpu.memory_space<vmem>>, vector<1x1x16xf32>,
        %get3A_274 = vector.shape_cast %get3A_273 : vector<1x1x16xf32> to vector<16xf32>
        %add3A_275 = arith.addf %get3A_268, %get3A_274 : vector<16xf32>
        %swap3A_276 = arith.index_cast %squeeze3A_244 : i32 to index
        %swap3A_277 = arith.constant 0 : index
        %swap3A_278 = tpu.vector_load %arg11[%swap3A_276, %swap3A_277] {strides = array<i32>} : memref<1026x16xf32, #tpu.memory_space<vmem>>, vector<1x16xf32>,
        %swap3A_279 = vector.shape_cast %swap3A_278 : vector<1x16xf32> to vector<16xf32>
        %swap3A_280 = vector.shape_cast %add3A_275 : vector<16xf32> to vector<1x16xf32>
        tpu.vector_store %arg11[%swap3A_276, %swap3A_277], %swap3A_280 {strides = array<i32>} : memref<1026x16xf32, #tpu.memory_space<vmem>>, vector<1x16xf32>,
        %slice3A_281 = vector.extract_strided_slice %get3A_92 {offsets = [10], sizes = [1], strides = [1]} : vector<16xi32> to vector<1xi32>
        %squeeze3A_282 = vector.extract %slice3A_281[0] : i32 from vector<1xi32>
        %mul3A_283 = arith.constant 2 : i32
        %mul3A_284 = arith.muli %mul3A_283, %scan3A_86 : i32
        %add3A_285 = arith.constant 1 : i32
        %add3A_286 = arith.addi %mul3A_284, %add3A_285 : i32
        %get3A_287 = arith.index_cast %squeeze3A_282 : i32 to index
        %get3A_288 = arith.constant 0 : index
        %get3A_289 = tpu.vector_load %arg10[%get3A_287, %get3A_288] {strides = array<i32>} : memref<1026x16xf32, #tpu.memory_space<vmem>>, vector<1x16xf32>,
        %get3A_290 = vector.shape_cast %get3A_289 : vector<1x16xf32> to vector<16xf32>
        %get3A_291 = arith.constant 2 : i32
        %get3A_292 = arith.index_cast %add3A_286 : i32 to index
        %get3A_293 = arith.index_cast %get3A_291 : i32 to index
        %get3A_294 = arith.constant 0 : index
        %get3A_295 = tpu.vector_load %arg8[%get3A_292, %get3A_293, %get3A_294] {strides = array<i32>} : memref<256x8x16xf32, #tpu.memory_space<vmem>>, vector<1x1x16xf32>,
        %get3A_296 = vector.shape_cast %get3A_295 : vector<1x1x16xf32> to vector<16xf32>
        %add3A_297 = arith.addf %get3A_290, %get3A_296 : vector<16xf32>
        %swap3A_298 = arith.index_cast %squeeze3A_282 : i32 to index
        %swap3A_299 = arith.constant 0 : index
        %swap3A_300 = tpu.vector_load %arg10[%swap3A_298, %swap3A_299] {strides = array<i32>} : memref<1026x16xf32, #tpu.memory_space<vmem>>, vector<1x16xf32>,
        %swap3A_301 = vector.shape_cast %swap3A_300 : vector<1x16xf32> to vector<16xf32>
        %swap3A_302 = vector.shape_cast %add3A_297 : vector<16xf32> to vector<1x16xf32>
        tpu.vector_store %arg10[%swap3A_298, %swap3A_299], %swap3A_302 {strides = array<i32>} : memref<1026x16xf32, #tpu.memory_space<vmem>>, vector<1x16xf32>,
        %get3A_303 = arith.index_cast %squeeze3A_282 : i32 to index
        %get3A_304 = arith.constant 0 : index
        %get3A_305 = tpu.vector_load %arg11[%get3A_303, %get3A_304] {strides = array<i32>} : memref<1026x16xf32, #tpu.memory_space<vmem>>, vector<1x16xf32>,
        %get3A_306 = vector.shape_cast %get3A_305 : vector<1x16xf32> to vector<16xf32>
        %get3A_307 = arith.constant 2 : i32
        %get3A_308 = arith.index_cast %add3A_286 : i32 to index
        %get3A_309 = arith.index_cast %get3A_307 : i32 to index
        %get3A_310 = arith.constant 0 : index
        %get3A_311 = tpu.vector_load %arg9[%get3A_308, %get3A_309, %get3A_310] {strides = array<i32>} : memref<256x8x16xf32, #tpu.memory_space<vmem>>, vector<1x1x16xf32>,
        %get3A_312 = vector.shape_cast %get3A_311 : vector<1x1x16xf32> to vector<16xf32>
        %add3A_313 = arith.addf %get3A_306, %get3A_312 : vector<16xf32>
        %swap3A_314 = arith.index_cast %squeeze3A_282 : i32 to index
        %swap3A_315 = arith.constant 0 : index
        %swap3A_316 = tpu.vector_load %arg11[%swap3A_314, %swap3A_315] {strides = array<i32>} : memref<1026x16xf32, #tpu.memory_space<vmem>>, vector<1x16xf32>,
        %swap3A_317 = vector.shape_cast %swap3A_316 : vector<1x16xf32> to vector<16xf32>
        %swap3A_318 = vector.shape_cast %add3A_313 : vector<16xf32> to vector<1x16xf32>
        tpu.vector_store %arg11[%swap3A_314, %swap3A_315], %swap3A_318 {strides = array<i32>} : memref<1026x16xf32, #tpu.memory_space<vmem>>, vector<1x16xf32>,
        %slice3A_319 = vector.extract_strided_slice %get3A_92 {offsets = [12], sizes = [1], strides = [1]} : vector<16xi32> to vector<1xi32>
        %squeeze3A_320 = vector.extract %slice3A_319[0] : i32 from vector<1xi32>
        %mul3A_321 = arith.constant 2 : i32
        %mul3A_322 = arith.muli %mul3A_321, %scan3A_86 : i32
        %add3A_323 = arith.constant 1 : i32
        %add3A_324 = arith.addi %mul3A_322, %add3A_323 : i32
        %get3A_325 = arith.index_cast %squeeze3A_320 : i32 to index
        %get3A_326 = arith.constant 0 : index
        %get3A_327 = tpu.vector_load %arg10[%get3A_325, %get3A_326] {strides = array<i32>} : memref<1026x16xf32, #tpu.memory_space<vmem>>, vector<1x16xf32>,
        %get3A_328 = vector.shape_cast %get3A_327 : vector<1x16xf32> to vector<16xf32>
        %get3A_329 = arith.constant 4 : i32
        %get3A_330 = arith.index_cast %add3A_324 : i32 to index
        %get3A_331 = arith.index_cast %get3A_329 : i32 to index
        %get3A_332 = arith.constant 0 : index
        %get3A_333 = tpu.vector_load %arg8[%get3A_330, %get3A_331, %get3A_332] {strides = array<i32>} : memref<256x8x16xf32, #tpu.memory_space<vmem>>, vector<1x1x16xf32>,
        %get3A_334 = vector.shape_cast %get3A_333 : vector<1x1x16xf32> to vector<16xf32>
        %add3A_335 = arith.addf %get3A_328, %get3A_334 : vector<16xf32>
        %swap3A_336 = arith.index_cast %squeeze3A_320 : i32 to index
        %swap3A_337 = arith.constant 0 : index
        %swap3A_338 = tpu.vector_load %arg10[%swap3A_336, %swap3A_337] {strides = array<i32>} : memref<1026x16xf32, #tpu.memory_space<vmem>>, vector<1x16xf32>,
        %swap3A_339 = vector.shape_cast %swap3A_338 : vector<1x16xf32> to vector<16xf32>
        %swap3A_340 = vector.shape_cast %add3A_335 : vector<16xf32> to vector<1x16xf32>
        tpu.vector_store %arg10[%swap3A_336, %swap3A_337], %swap3A_340 {strides = array<i32>} : memref<1026x16xf32, #tpu.memory_space<vmem>>, vector<1x16xf32>,
        %get3A_341 = arith.index_cast %squeeze3A_320 : i32 to index
        %get3A_342 = arith.constant 0 : index
        %get3A_343 = tpu.vector_load %arg11[%get3A_341, %get3A_342] {strides = array<i32>} : memref<1026x16xf32, #tpu.memory_space<vmem>>, vector<1x16xf32>,
        %get3A_344 = vector.shape_cast %get3A_343 : vector<1x16xf32> to vector<16xf32>
        %get3A_345 = arith.constant 4 : i32
        %get3A_346 = arith.index_cast %add3A_324 : i32 to index
        %get3A_347 = arith.index_cast %get3A_345 : i32 to index
        %get3A_348 = arith.constant 0 : index
        %get3A_349 = tpu.vector_load %arg9[%get3A_346, %get3A_347, %get3A_348] {strides = array<i32>} : memref<256x8x16xf32, #tpu.memory_space<vmem>>, vector<1x1x16xf32>,
        %get3A_350 = vector.shape_cast %get3A_349 : vector<1x1x16xf32> to vector<16xf32>
        %add3A_351 = arith.addf %get3A_344, %get3A_350 : vector<16xf32>
        %swap3A_352 = arith.index_cast %squeeze3A_320 : i32 to index
        %swap3A_353 = arith.constant 0 : index
        %swap3A_354 = tpu.vector_load %arg11[%swap3A_352, %swap3A_353] {strides = array<i32>} : memref<1026x16xf32, #tpu.memory_space<vmem>>, vector<1x16xf32>,
        %swap3A_355 = vector.shape_cast %swap3A_354 : vector<1x16xf32> to vector<16xf32>
        %swap3A_356 = vector.shape_cast %add3A_351 : vector<16xf32> to vector<1x16xf32>
        tpu.vector_store %arg11[%swap3A_352, %swap3A_353], %swap3A_356 {strides = array<i32>} : memref<1026x16xf32, #tpu.memory_space<vmem>>, vector<1x16xf32>,
        %slice3A_357 = vector.extract_strided_slice %get3A_92 {offsets = [14], sizes = [1], strides = [1]} : vector<16xi32> to vector<1xi32>
        %squeeze3A_358 = vector.extract %slice3A_357[0] : i32 from vector<1xi32>
        %mul3A_359 = arith.constant 2 : i32
        %mul3A_360 = arith.muli %mul3A_359, %scan3A_86 : i32
        %add3A_361 = arith.constant 1 : i32
        %add3A_362 = arith.addi %mul3A_360, %add3A_361 : i32
        %get3A_363 = arith.index_cast %squeeze3A_358 : i32 to index
        %get3A_364 = arith.constant 0 : index
        %get3A_365 = tpu.vector_load %arg10[%get3A_363, %get3A_364] {strides = array<i32>} : memref<1026x16xf32, #tpu.memory_space<vmem>>, vector<1x16xf32>,
        %get3A_366 = vector.shape_cast %get3A_365 : vector<1x16xf32> to vector<16xf32>
        %get3A_367 = arith.constant 6 : i32
        %get3A_368 = arith.index_cast %add3A_362 : i32 to index
        %get3A_369 = arith.index_cast %get3A_367 : i32 to index
        %get3A_370 = arith.constant 0 : index
        %get3A_371 = tpu.vector_load %arg8[%get3A_368, %get3A_369, %get3A_370] {strides = array<i32>} : memref<256x8x16xf32, #tpu.memory_space<vmem>>, vector<1x1x16xf32>,
        %get3A_372 = vector.shape_cast %get3A_371 : vector<1x1x16xf32> to vector<16xf32>
        %add3A_373 = arith.addf %get3A_366, %get3A_372 : vector<16xf32>
        %swap3A_374 = arith.index_cast %squeeze3A_358 : i32 to index
        %swap3A_375 = arith.constant 0 : index
        %swap3A_376 = tpu.vector_load %arg10[%swap3A_374, %swap3A_375] {strides = array<i32>} : memref<1026x16xf32, #tpu.memory_space<vmem>>, vector<1x16xf32>,
        %swap3A_377 = vector.shape_cast %swap3A_376 : vector<1x16xf32> to vector<16xf32>
        %swap3A_378 = vector.shape_cast %add3A_373 : vector<16xf32> to vector<1x16xf32>
        tpu.vector_store %arg10[%swap3A_374, %swap3A_375], %swap3A_378 {strides = array<i32>} : memref<1026x16xf32, #tpu.memory_space<vmem>>, vector<1x16xf32>,
        %get3A_379 = arith.index_cast %squeeze3A_358 : i32 to index
        %get3A_380 = arith.constant 0 : index
        %get3A_381 = tpu.vector_load %arg11[%get3A_379, %get3A_380] {strides = array<i32>} : memref<1026x16xf32, #tpu.memory_space<vmem>>, vector<1x16xf32>,
        %get3A_382 = vector.shape_cast %get3A_381 : vector<1x16xf32> to vector<16xf32>
        %get3A_383 = arith.constant 6 : i32
        %get3A_384 = arith.index_cast %add3A_362 : i32 to index
        %get3A_385 = arith.index_cast %get3A_383 : i32 to index
        %get3A_386 = arith.constant 0 : index
        %get3A_387 = tpu.vector_load %arg9[%get3A_384, %get3A_385, %get3A_386] {strides = array<i32>} : memref<256x8x16xf32, #tpu.memory_space<vmem>>, vector<1x1x16xf32>,
        %get3A_388 = vector.shape_cast %get3A_387 : vector<1x1x16xf32> to vector<16xf32>
        %add3A_389 = arith.addf %get3A_382, %get3A_388 : vector<16xf32>
        %swap3A_390 = arith.index_cast %squeeze3A_358 : i32 to index
        %swap3A_391 = arith.constant 0 : index
        %swap3A_392 = tpu.vector_load %arg11[%swap3A_390, %swap3A_391] {strides = array<i32>} : memref<1026x16xf32, #tpu.memory_space<vmem>>, vector<1x16xf32>,
        %swap3A_393 = vector.shape_cast %swap3A_392 : vector<1x16xf32> to vector<16xf32>
        %swap3A_394 = vector.shape_cast %add3A_389 : vector<16xf32> to vector<1x16xf32>
        tpu.vector_store %arg11[%swap3A_390, %swap3A_391], %swap3A_394 {strides = array<i32>} : memref<1026x16xf32, #tpu.memory_space<vmem>>, vector<1x16xf32>,
        %scan3A_395 = arith.constant 0 : i32
        scf.yield %scan3A_395 : i32
      }
      %scan3A_76 = arith.constant 128 : i32
      %scan3A_77 = arith.constant 0 : i32
      %scan3A_78 = arith.constant 0 : i32
      %scan3A_79 = arith.constant 64 : i32
      %scan3A_80 = arith.addi %scan3A_78, %scan3A_79 : i32
      %scan3A_81 = arith.constant 1 : i32
      %scan3A_82 = scf.for %scan3A_86 = %scan3A_78 to %scan3A_80 step %scan3A_81 iter_args(%scan3A_87 = %scan3A_77) -> (i32)  : i32 {
        %mul3A_88 = arith.constant 16 : i32
        %mul3A_89 = arith.muli %scan3A_86, %mul3A_88 : i32
        %get3A_90 = arith.index_cast %mul3A_89 : i32 to index
        %get3A_91 = tpu.vector_load %arg7[%get3A_90] {strides = array<i32>} : memref<1024xf32, #tpu.memory_space<vmem>>, vector<16xf32>,
        %get3A_92 = vector.shape_cast %get3A_91 : vector<16xf32> to vector<16xf32>
        %mul3A_93 = arith.constant 16 : i32
        %mul3A_94 = arith.muli %scan3A_86, %mul3A_93 : i32
        %add3A_95 = arith.constant 1 : i32
        %add3A_96 = arith.addi %add3A_95, %mul3A_94 : i32
        %add3A_97 = arith.constant 0 : i32
        %add3A_98 = arith.addi %add3A_96, %add3A_97 : i32
        %slice3A = vector.extract_strided_slice %get3A_92 {offsets = [0], sizes = [1], strides = [1]} : vector<16xf32> to vector<1xf32>
        %squeeze3A = vector.extract %slice3A[0] : f32 from vector<1xf32>
        %broadcast_in_dim3A = vector.broadcast %squeeze3A : f32 to vector<16xf32>
        %get3A_99 = arith.index_cast %add3A_98 : i32 to index
        %get3A_100 = arith.constant 0 : index
        %get3A_101 = tpu.vector_load %arg10[%get3A_99, %get3A_100] {strides = array<i32>} : memref<1026x16xf32, #tpu.memory_space<vmem>>, vector<1x16xf32>,
        %get3A_102 = vector.shape_cast %get3A_101 : vector<1x16xf32> to vector<16xf32>
        %mul3A_103 = arith.mulf %get3A_102, %broadcast_in_dim3A : vector<16xf32>
        %swap3A_104 = arith.index_cast %add3A_98 : i32 to index
        %swap3A_105 = arith.constant 0 : index
        %swap3A_106 = tpu.vector_load %arg10[%swap3A_104, %swap3A_105] {strides = array<i32>} : memref<1026x16xf32, #tpu.memory_space<vmem>>, vector<1x16xf32>,
        %swap3A_107 = vector.shape_cast %swap3A_106 : vector<1x16xf32> to vector<16xf32>
        %swap3A_108 = vector.shape_cast %mul3A_103 : vector<16xf32> to vector<1x16xf32>
        tpu.vector_store %arg10[%swap3A_104, %swap3A_105], %swap3A_108 {strides = array<i32>} : memref<1026x16xf32, #tpu.memory_space<vmem>>, vector<1x16xf32>,
        %get3A_109 = arith.index_cast %add3A_98 : i32 to index
        %get3A_110 = arith.constant 0 : index
        %get3A_111 = tpu.vector_load %arg11[%get3A_109, %get3A_110] {strides = array<i32>} : memref<1026x16xf32, #tpu.memory_space<vmem>>, vector<1x16xf32>,
        %get3A_112 = vector.shape_cast %get3A_111 : vector<1x16xf32> to vector<16xf32>
        %mul3A_113 = arith.mulf %get3A_112, %broadcast_in_dim3A : vector<16xf32>
        %swap3A_114 = arith.index_cast %add3A_98 : i32 to index
        %swap3A_115 = arith.constant 0 : index
        %swap3A_116 = tpu.vector_load %arg11[%swap3A_114, %swap3A_115] {strides = array<i32>} : memref<1026x16xf32, #tpu.memory_space<vmem>>, vector<1x16xf32>,
        %swap3A_117 = vector.shape_cast %swap3A_116 : vector<1x16xf32> to vector<16xf32>
        %swap3A_118 = vector.shape_cast %mul3A_113 : vector<16xf32> to vector<1x16xf32>
        tpu.vector_store %arg11[%swap3A_114, %swap3A_115], %swap3A_118 {strides = array<i32>} : memref<1026x16xf32, #tpu.memory_space<vmem>>, vector<1x16xf32>,
        %mul3A_119 = arith.constant 16 : i32
        %mul3A_120 = arith.muli %scan3A_86, %mul3A_119 : i32
        %add3A_121 = arith.constant 1 : i32
        %add3A_122 = arith.addi %add3A_121, %mul3A_120 : i32
        %add3A_123 = arith.constant 1 : i32
        %add3A_124 = arith.addi %add3A_122, %add3A_123 : i32
        %slice3A_125 = vector.extract_strided_slice %get3A_92 {offsets = [1], sizes = [1], strides = [1]} : vector<16xf32> to vector<1xf32>
        %squeeze3A_126 = vector.extract %slice3A_125[0] : f32 from vector<1xf32>
        %broadcast_in_dim3A_127 = vector.broadcast %squeeze3A_126 : f32 to vector<16xf32>
        %get3A_128 = arith.index_cast %add3A_124 : i32 to index
        %get3A_129 = arith.constant 0 : index
        %get3A_130 = tpu.vector_load %arg10[%get3A_128, %get3A_129] {strides = array<i32>} : memref<1026x16xf32, #tpu.memory_space<vmem>>, vector<1x16xf32>,
        %get3A_131 = vector.shape_cast %get3A_130 : vector<1x16xf32> to vector<16xf32>
        %mul3A_132 = arith.mulf %get3A_131, %broadcast_in_dim3A_127 : vector<16xf32>
        %swap3A_133 = arith.index_cast %add3A_124 : i32 to index
        %swap3A_134 = arith.constant 0 : index
        %swap3A_135 = tpu.vector_load %arg10[%swap3A_133, %swap3A_134] {strides = array<i32>} : memref<1026x16xf32, #tpu.memory_space<vmem>>, vector<1x16xf32>,
        %swap3A_136 = vector.shape_cast %swap3A_135 : vector<1x16xf32> to vector<16xf32>
        %swap3A_137 = vector.shape_cast %mul3A_132 : vector<16xf32> to vector<1x16xf32>
        tpu.vector_store %arg10[%swap3A_133, %swap3A_134], %swap3A_137 {strides = array<i32>} : memref<1026x16xf32, #tpu.memory_space<vmem>>, vector<1x16xf32>,
        %get3A_138 = arith.index_cast %add3A_124 : i32 to index
        %get3A_139 = arith.constant 0 : index
        %get3A_140 = tpu.vector_load %arg11[%get3A_138, %get3A_139] {strides = array<i32>} : memref<1026x16xf32, #tpu.memory_space<vmem>>, vector<1x16xf32>,
        %get3A_141 = vector.shape_cast %get3A_140 : vector<1x16xf32> to vector<16xf32>
        %mul3A_142 = arith.mulf %get3A_141, %broadcast_in_dim3A_127 : vector<16xf32>
        %swap3A_143 = arith.index_cast %add3A_124 : i32 to index
        %swap3A_144 = arith.constant 0 : index
        %swap3A_145 = tpu.vector_load %arg11[%swap3A_143, %swap3A_144] {strides = array<i32>} : memref<1026x16xf32, #tpu.memory_space<vmem>>, vector<1x16xf32>,
        %swap3A_146 = vector.shape_cast %swap3A_145 : vector<1x16xf32> to vector<16xf32>
        %swap3A_147 = vector.shape_cast %mul3A_142 : vector<16xf32> to vector<1x16xf32>
        tpu.vector_store %arg11[%swap3A_143, %swap3A_144], %swap3A_147 {strides = array<i32>} : memref<1026x16xf32, #tpu.memory_space<vmem>>, vector<1x16xf32>,
        %mul3A_148 = arith.constant 16 : i32
        %mul3A_149 = arith.muli %scan3A_86, %mul3A_148 : i32
        %add3A_150 = arith.constant 1 : i32
        %add3A_151 = arith.addi %add3A_150, %mul3A_149 : i32
        %add3A_152 = arith.constant 2 : i32
        %add3A_153 = arith.addi %add3A_151, %add3A_152 : i32
        %slice3A_154 = vector.extract_strided_slice %get3A_92 {offsets = [2], sizes = [1], strides = [1]} : vector<16xf32> to vector<1xf32>
        %squeeze3A_155 = vector.extract %slice3A_154[0] : f32 from vector<1xf32>
        %broadcast_in_dim3A_156 = vector.broadcast %squeeze3A_155 : f32 to vector<16xf32>
        %get3A_157 = arith.index_cast %add3A_153 : i32 to index
        %get3A_158 = arith.constant 0 : index
        %get3A_159 = tpu.vector_load %arg10[%get3A_157, %get3A_158] {strides = array<i32>} : memref<1026x16xf32, #tpu.memory_space<vmem>>, vector<1x16xf32>,
        %get3A_160 = vector.shape_cast %get3A_159 : vector<1x16xf32> to vector<16xf32>
        %mul3A_161 = arith.mulf %get3A_160, %broadcast_in_dim3A_156 : vector<16xf32>
        %swap3A_162 = arith.index_cast %add3A_153 : i32 to index
        %swap3A_163 = arith.constant 0 : index
        %swap3A_164 = tpu.vector_load %arg10[%swap3A_162, %swap3A_163] {strides = array<i32>} : memref<1026x16xf32, #tpu.memory_space<vmem>>, vector<1x16xf32>,
        %swap3A_165 = vector.shape_cast %swap3A_164 : vector<1x16xf32> to vector<16xf32>
        %swap3A_166 = vector.shape_cast %mul3A_161 : vector<16xf32> to vector<1x16xf32>
        tpu.vector_store %arg10[%swap3A_162, %swap3A_163], %swap3A_166 {strides = array<i32>} : memref<1026x16xf32, #tpu.memory_space<vmem>>, vector<1x16xf32>,
        %get3A_167 = arith.index_cast %add3A_153 : i32 to index
        %get3A_168 = arith.constant 0 : index
        %get3A_169 = tpu.vector_load %arg11[%get3A_167, %get3A_168] {strides = array<i32>} : memref<1026x16xf32, #tpu.memory_space<vmem>>, vector<1x16xf32>,
        %get3A_170 = vector.shape_cast %get3A_169 : vector<1x16xf32> to vector<16xf32>
        %mul3A_171 = arith.mulf %get3A_170, %broadcast_in_dim3A_156 : vector<16xf32>
        %swap3A_172 = arith.index_cast %add3A_153 : i32 to index
        %swap3A_173 = arith.constant 0 : index
        %swap3A_174 = tpu.vector_load %arg11[%swap3A_172, %swap3A_173] {strides = array<i32>} : memref<1026x16xf32, #tpu.memory_space<vmem>>, vector<1x16xf32>,
        %swap3A_175 = vector.shape_cast %swap3A_174 : vector<1x16xf32> to vector<16xf32>
        %swap3A_176 = vector.shape_cast %mul3A_171 : vector<16xf32> to vector<1x16xf32>
        tpu.vector_store %arg11[%swap3A_172, %swap3A_173], %swap3A_176 {strides = array<i32>} : memref<1026x16xf32, #tpu.memory_space<vmem>>, vector<1x16xf32>,
        %mul3A_177 = arith.constant 16 : i32
        %mul3A_178 = arith.muli %scan3A_86, %mul3A_177 : i32
        %add3A_179 = arith.constant 1 : i32
        %add3A_180 = arith.addi %add3A_179, %mul3A_178 : i32
        %add3A_181 = arith.constant 3 : i32
        %add3A_182 = arith.addi %add3A_180, %add3A_181 : i32
        %slice3A_183 = vector.extract_strided_slice %get3A_92 {offsets = [3], sizes = [1], strides = [1]} : vector<16xf32> to vector<1xf32>
        %squeeze3A_184 = vector.extract %slice3A_183[0] : f32 from vector<1xf32>
        %broadcast_in_dim3A_185 = vector.broadcast %squeeze3A_184 : f32 to vector<16xf32>
        %get3A_186 = arith.index_cast %add3A_182 : i32 to index
        %get3A_187 = arith.constant 0 : index
        %get3A_188 = tpu.vector_load %arg10[%get3A_186, %get3A_187] {strides = array<i32>} : memref<1026x16xf32, #tpu.memory_space<vmem>>, vector<1x16xf32>,
        %get3A_189 = vector.shape_cast %get3A_188 : vector<1x16xf32> to vector<16xf32>
        %mul3A_190 = arith.mulf %get3A_189, %broadcast_in_dim3A_185 : vector<16xf32>
        %swap3A_191 = arith.index_cast %add3A_182 : i32 to index
        %swap3A_192 = arith.constant 0 : index
        %swap3A_193 = tpu.vector_load %arg10[%swap3A_191, %swap3A_192] {strides = array<i32>} : memref<1026x16xf32, #tpu.memory_space<vmem>>, vector<1x16xf32>,
        %swap3A_194 = vector.shape_cast %swap3A_193 : vector<1x16xf32> to vector<16xf32>
        %swap3A_195 = vector.shape_cast %mul3A_190 : vector<16xf32> to vector<1x16xf32>
        tpu.vector_store %arg10[%swap3A_191, %swap3A_192], %swap3A_195 {strides = array<i32>} : memref<1026x16xf32, #tpu.memory_space<vmem>>, vector<1x16xf32>,
        %get3A_196 = arith.index_cast %add3A_182 : i32 to index
        %get3A_197 = arith.constant 0 : index
        %get3A_198 = tpu.vector_load %arg11[%get3A_196, %get3A_197] {strides = array<i32>} : memref<1026x16xf32, #tpu.memory_space<vmem>>, vector<1x16xf32>,
        %get3A_199 = vector.shape_cast %get3A_198 : vector<1x16xf32> to vector<16xf32>
        %mul3A_200 = arith.mulf %get3A_199, %broadcast_in_dim3A_185 : vector<16xf32>
        %swap3A_201 = arith.index_cast %add3A_182 : i32 to index
        %swap3A_202 = arith.constant 0 : index
        %swap3A_203 = tpu.vector_load %arg11[%swap3A_201, %swap3A_202] {strides = array<i32>} : memref<1026x16xf32, #tpu.memory_space<vmem>>, vector<1x16xf32>,
        %swap3A_204 = vector.shape_cast %swap3A_203 : vector<1x16xf32> to vector<16xf32>
        %swap3A_205 = vector.shape_cast %mul3A_200 : vector<16xf32> to vector<1x16xf32>
        tpu.vector_store %arg11[%swap3A_201, %swap3A_202], %swap3A_205 {strides = array<i32>} : memref<1026x16xf32, #tpu.memory_space<vmem>>, vector<1x16xf32>,
        %mul3A_206 = arith.constant 16 : i32
        %mul3A_207 = arith.muli %scan3A_86, %mul3A_206 : i32
        %add3A_208 = arith.constant 1 : i32
        %add3A_209 = arith.addi %add3A_208, %mul3A_207 : i32
        %add3A_210 = arith.constant 4 : i32
        %add3A_211 = arith.addi %add3A_209, %add3A_210 : i32
        %slice3A_212 = vector.extract_strided_slice %get3A_92 {offsets = [4], sizes = [1], strides = [1]} : vector<16xf32> to vector<1xf32>
        %squeeze3A_213 = vector.extract %slice3A_212[0] : f32 from vector<1xf32>
        %broadcast_in_dim3A_214 = vector.broadcast %squeeze3A_213 : f32 to vector<16xf32>
        %get3A_215 = arith.index_cast %add3A_211 : i32 to index
        %get3A_216 = arith.constant 0 : index
        %get3A_217 = tpu.vector_load %arg10[%get3A_215, %get3A_216] {strides = array<i32>} : memref<1026x16xf32, #tpu.memory_space<vmem>>, vector<1x16xf32>,
        %get3A_218 = vector.shape_cast %get3A_217 : vector<1x16xf32> to vector<16xf32>
        %mul3A_219 = arith.mulf %get3A_218, %broadcast_in_dim3A_214 : vector<16xf32>
        %swap3A_220 = arith.index_cast %add3A_211 : i32 to index
        %swap3A_221 = arith.constant 0 : index
        %swap3A_222 = tpu.vector_load %arg10[%swap3A_220, %swap3A_221] {strides = array<i32>} : memref<1026x16xf32, #tpu.memory_space<vmem>>, vector<1x16xf32>,
        %swap3A_223 = vector.shape_cast %swap3A_222 : vector<1x16xf32> to vector<16xf32>
        %swap3A_224 = vector.shape_cast %mul3A_219 : vector<16xf32> to vector<1x16xf32>
        tpu.vector_store %arg10[%swap3A_220, %swap3A_221], %swap3A_224 {strides = array<i32>} : memref<1026x16xf32, #tpu.memory_space<vmem>>, vector<1x16xf32>,
        %get3A_225 = arith.index_cast %add3A_211 : i32 to index
        %get3A_226 = arith.constant 0 : index
        %get3A_227 = tpu.vector_load %arg11[%get3A_225, %get3A_226] {strides = array<i32>} : memref<1026x16xf32, #tpu.memory_space<vmem>>, vector<1x16xf32>,
        %get3A_228 = vector.shape_cast %get3A_227 : vector<1x16xf32> to vector<16xf32>
        %mul3A_229 = arith.mulf %get3A_228, %broadcast_in_dim3A_214 : vector<16xf32>
        %swap3A_230 = arith.index_cast %add3A_211 : i32 to index
        %swap3A_231 = arith.constant 0 : index
        %swap3A_232 = tpu.vector_load %arg11[%swap3A_230, %swap3A_231] {strides = array<i32>} : memref<1026x16xf32, #tpu.memory_space<vmem>>, vector<1x16xf32>,
        %swap3A_233 = vector.shape_cast %swap3A_232 : vector<1x16xf32> to vector<16xf32>
        %swap3A_234 = vector.shape_cast %mul3A_229 : vector<16xf32> to vector<1x16xf32>
        tpu.vector_store %arg11[%swap3A_230, %swap3A_231], %swap3A_234 {strides = array<i32>} : memref<1026x16xf32, #tpu.memory_space<vmem>>, vector<1x16xf32>,
        %mul3A_235 = arith.constant 16 : i32
        %mul3A_236 = arith.muli %scan3A_86, %mul3A_235 : i32
        %add3A_237 = arith.constant 1 : i32
        %add3A_238 = arith.addi %add3A_237, %mul3A_236 : i32
        %add3A_239 = arith.constant 5 : i32
        %add3A_240 = arith.addi %add3A_238, %add3A_239 : i32
        %slice3A_241 = vector.extract_strided_slice %get3A_92 {offsets = [5], sizes = [1], strides = [1]} : vector<16xf32> to vector<1xf32>
        %squeeze3A_242 = vector.extract %slice3A_241[0] : f32 from vector<1xf32>
        %broadcast_in_dim3A_243 = vector.broadcast %squeeze3A_242 : f32 to vector<16xf32>
        %get3A_244 = arith.index_cast %add3A_240 : i32 to index
        %get3A_245 = arith.constant 0 : index
        %get3A_246 = tpu.vector_load %arg10[%get3A_244, %get3A_245] {strides = array<i32>} : memref<1026x16xf32, #tpu.memory_space<vmem>>, vector<1x16xf32>,
        %get3A_247 = vector.shape_cast %get3A_246 : vector<1x16xf32> to vector<16xf32>
        %mul3A_248 = arith.mulf %get3A_247, %broadcast_in_dim3A_243 : vector<16xf32>
        %swap3A_249 = arith.index_cast %add3A_240 : i32 to index
        %swap3A_250 = arith.constant 0 : index
        %swap3A_251 = tpu.vector_load %arg10[%swap3A_249, %swap3A_250] {strides = array<i32>} : memref<1026x16xf32, #tpu.memory_space<vmem>>, vector<1x16xf32>,
        %swap3A_252 = vector.shape_cast %swap3A_251 : vector<1x16xf32> to vector<16xf32>
        %swap3A_253 = vector.shape_cast %mul3A_248 : vector<16xf32> to vector<1x16xf32>
        tpu.vector_store %arg10[%swap3A_249, %swap3A_250], %swap3A_253 {strides = array<i32>} : memref<1026x16xf32, #tpu.memory_space<vmem>>, vector<1x16xf32>,
        %get3A_254 = arith.index_cast %add3A_240 : i32 to index
        %get3A_255 = arith.constant 0 : index
        %get3A_256 = tpu.vector_load %arg11[%get3A_254, %get3A_255] {strides = array<i32>} : memref<1026x16xf32, #tpu.memory_space<vmem>>, vector<1x16xf32>,
        %get3A_257 = vector.shape_cast %get3A_256 : vector<1x16xf32> to vector<16xf32>
        %mul3A_258 = arith.mulf %get3A_257, %broadcast_in_dim3A_243 : vector<16xf32>
        %swap3A_259 = arith.index_cast %add3A_240 : i32 to index
        %swap3A_260 = arith.constant 0 : index
        %swap3A_261 = tpu.vector_load %arg11[%swap3A_259, %swap3A_260] {strides = array<i32>} : memref<1026x16xf32, #tpu.memory_space<vmem>>, vector<1x16xf32>,
        %swap3A_262 = vector.shape_cast %swap3A_261 : vector<1x16xf32> to vector<16xf32>
        %swap3A_263 = vector.shape_cast %mul3A_258 : vector<16xf32> to vector<1x16xf32>
        tpu.vector_store %arg11[%swap3A_259, %swap3A_260], %swap3A_263 {strides = array<i32>} : memref<1026x16xf32, #tpu.memory_space<vmem>>, vector<1x16xf32>,
        %mul3A_264 = arith.constant 16 : i32
        %mul3A_265 = arith.muli %scan3A_86, %mul3A_264 : i32
        %add3A_266 = arith.constant 1 : i32
        %add3A_267 = arith.addi %add3A_266, %mul3A_265 : i32
        %add3A_268 = arith.constant 6 : i32
        %add3A_269 = arith.addi %add3A_267, %add3A_268 : i32
        %slice3A_270 = vector.extract_strided_slice %get3A_92 {offsets = [6], sizes = [1], strides = [1]} : vector<16xf32> to vector<1xf32>
        %squeeze3A_271 = vector.extract %slice3A_270[0] : f32 from vector<1xf32>
        %broadcast_in_dim3A_272 = vector.broadcast %squeeze3A_271 : f32 to vector<16xf32>
        %get3A_273 = arith.index_cast %add3A_269 : i32 to index
        %get3A_274 = arith.constant 0 : index
        %get3A_275 = tpu.vector_load %arg10[%get3A_273, %get3A_274] {strides = array<i32>} : memref<1026x16xf32, #tpu.memory_space<vmem>>, vector<1x16xf32>,
        %get3A_276 = vector.shape_cast %get3A_275 : vector<1x16xf32> to vector<16xf32>
        %mul3A_277 = arith.mulf %get3A_276, %broadcast_in_dim3A_272 : vector<16xf32>
        %swap3A_278 = arith.index_cast %add3A_269 : i32 to index
        %swap3A_279 = arith.constant 0 : index
        %swap3A_280 = tpu.vector_load %arg10[%swap3A_278, %swap3A_279] {strides = array<i32>} : memref<1026x16xf32, #tpu.memory_space<vmem>>, vector<1x16xf32>,
        %swap3A_281 = vector.shape_cast %swap3A_280 : vector<1x16xf32> to vector<16xf32>
        %swap3A_282 = vector.shape_cast %mul3A_277 : vector<16xf32> to vector<1x16xf32>
        tpu.vector_store %arg10[%swap3A_278, %swap3A_279], %swap3A_282 {strides = array<i32>} : memref<1026x16xf32, #tpu.memory_space<vmem>>, vector<1x16xf32>,
        %get3A_283 = arith.index_cast %add3A_269 : i32 to index
        %get3A_284 = arith.constant 0 : index
        %get3A_285 = tpu.vector_load %arg11[%get3A_283, %get3A_284] {strides = array<i32>} : memref<1026x16xf32, #tpu.memory_space<vmem>>, vector<1x16xf32>,
        %get3A_286 = vector.shape_cast %get3A_285 : vector<1x16xf32> to vector<16xf32>
        %mul3A_287 = arith.mulf %get3A_286, %broadcast_in_dim3A_272 : vector<16xf32>
        %swap3A_288 = arith.index_cast %add3A_269 : i32 to index
        %swap3A_289 = arith.constant 0 : index
        %swap3A_290 = tpu.vector_load %arg11[%swap3A_288, %swap3A_289] {strides = array<i32>} : memref<1026x16xf32, #tpu.memory_space<vmem>>, vector<1x16xf32>,
        %swap3A_291 = vector.shape_cast %swap3A_290 : vector<1x16xf32> to vector<16xf32>
        %swap3A_292 = vector.shape_cast %mul3A_287 : vector<16xf32> to vector<1x16xf32>
        tpu.vector_store %arg11[%swap3A_288, %swap3A_289], %swap3A_292 {strides = array<i32>} : memref<1026x16xf32, #tpu.memory_space<vmem>>, vector<1x16xf32>,
        %mul3A_293 = arith.constant 16 : i32
        %mul3A_294 = arith.muli %scan3A_86, %mul3A_293 : i32
        %add3A_295 = arith.constant 1 : i32
        %add3A_296 = arith.addi %add3A_295, %mul3A_294 : i32
        %add3A_297 = arith.constant 7 : i32
        %add3A_298 = arith.addi %add3A_296, %add3A_297 : i32
        %slice3A_299 = vector.extract_strided_slice %get3A_92 {offsets = [7], sizes = [1], strides = [1]} : vector<16xf32> to vector<1xf32>
        %squeeze3A_300 = vector.extract %slice3A_299[0] : f32 from vector<1xf32>
        %broadcast_in_dim3A_301 = vector.broadcast %squeeze3A_300 : f32 to vector<16xf32>
        %get3A_302 = arith.index_cast %add3A_298 : i32 to index
        %get3A_303 = arith.constant 0 : index
        %get3A_304 = tpu.vector_load %arg10[%get3A_302, %get3A_303] {strides = array<i32>} : memref<1026x16xf32, #tpu.memory_space<vmem>>, vector<1x16xf32>,
        %get3A_305 = vector.shape_cast %get3A_304 : vector<1x16xf32> to vector<16xf32>
        %mul3A_306 = arith.mulf %get3A_305, %broadcast_in_dim3A_301 : vector<16xf32>
        %swap3A_307 = arith.index_cast %add3A_298 : i32 to index
        %swap3A_308 = arith.constant 0 : index
        %swap3A_309 = tpu.vector_load %arg10[%swap3A_307, %swap3A_308] {strides = array<i32>} : memref<1026x16xf32, #tpu.memory_space<vmem>>, vector<1x16xf32>,
        %swap3A_310 = vector.shape_cast %swap3A_309 : vector<1x16xf32> to vector<16xf32>
        %swap3A_311 = vector.shape_cast %mul3A_306 : vector<16xf32> to vector<1x16xf32>
        tpu.vector_store %arg10[%swap3A_307, %swap3A_308], %swap3A_311 {strides = array<i32>} : memref<1026x16xf32, #tpu.memory_space<vmem>>, vector<1x16xf32>,
        %get3A_312 = arith.index_cast %add3A_298 : i32 to index
        %get3A_313 = arith.constant 0 : index
        %get3A_314 = tpu.vector_load %arg11[%get3A_312, %get3A_313] {strides = array<i32>} : memref<1026x16xf32, #tpu.memory_space<vmem>>, vector<1x16xf32>,
        %get3A_315 = vector.shape_cast %get3A_314 : vector<1x16xf32> to vector<16xf32>
        %mul3A_316 = arith.mulf %get3A_315, %broadcast_in_dim3A_301 : vector<16xf32>
        %swap3A_317 = arith.index_cast %add3A_298 : i32 to index
        %swap3A_318 = arith.constant 0 : index
        %swap3A_319 = tpu.vector_load %arg11[%swap3A_317, %swap3A_318] {strides = array<i32>} : memref<1026x16xf32, #tpu.memory_space<vmem>>, vector<1x16xf32>,
        %swap3A_320 = vector.shape_cast %swap3A_319 : vector<1x16xf32> to vector<16xf32>
        %swap3A_321 = vector.shape_cast %mul3A_316 : vector<16xf32> to vector<1x16xf32>
        tpu.vector_store %arg11[%swap3A_317, %swap3A_318], %swap3A_321 {strides = array<i32>} : memref<1026x16xf32, #tpu.memory_space<vmem>>, vector<1x16xf32>,
        %mul3A_322 = arith.constant 16 : i32
        %mul3A_323 = arith.muli %scan3A_86, %mul3A_322 : i32
        %add3A_324 = arith.constant 1 : i32
        %add3A_325 = arith.addi %add3A_324, %mul3A_323 : i32
        %add3A_326 = arith.constant 8 : i32
        %add3A_327 = arith.addi %add3A_325, %add3A_326 : i32
        %slice3A_328 = vector.extract_strided_slice %get3A_92 {offsets = [8], sizes = [1], strides = [1]} : vector<16xf32> to vector<1xf32>
        %squeeze3A_329 = vector.extract %slice3A_328[0] : f32 from vector<1xf32>
        %broadcast_in_dim3A_330 = vector.broadcast %squeeze3A_329 : f32 to vector<16xf32>
        %get3A_331 = arith.index_cast %add3A_327 : i32 to index
        %get3A_332 = arith.constant 0 : index
        %get3A_333 = tpu.vector_load %arg10[%get3A_331, %get3A_332] {strides = array<i32>} : memref<1026x16xf32, #tpu.memory_space<vmem>>, vector<1x16xf32>,
        %get3A_334 = vector.shape_cast %get3A_333 : vector<1x16xf32> to vector<16xf32>
        %mul3A_335 = arith.mulf %get3A_334, %broadcast_in_dim3A_330 : vector<16xf32>
        %swap3A_336 = arith.index_cast %add3A_327 : i32 to index
        %swap3A_337 = arith.constant 0 : index
        %swap3A_338 = tpu.vector_load %arg10[%swap3A_336, %swap3A_337] {strides = array<i32>} : memref<1026x16xf32, #tpu.memory_space<vmem>>, vector<1x16xf32>,
        %swap3A_339 = vector.shape_cast %swap3A_338 : vector<1x16xf32> to vector<16xf32>
        %swap3A_340 = vector.shape_cast %mul3A_335 : vector<16xf32> to vector<1x16xf32>
        tpu.vector_store %arg10[%swap3A_336, %swap3A_337], %swap3A_340 {strides = array<i32>} : memref<1026x16xf32, #tpu.memory_space<vmem>>, vector<1x16xf32>,
        %get3A_341 = arith.index_cast %add3A_327 : i32 to index
        %get3A_342 = arith.constant 0 : index
        %get3A_343 = tpu.vector_load %arg11[%get3A_341, %get3A_342] {strides = array<i32>} : memref<1026x16xf32, #tpu.memory_space<vmem>>, vector<1x16xf32>,
        %get3A_344 = vector.shape_cast %get3A_343 : vector<1x16xf32> to vector<16xf32>
        %mul3A_345 = arith.mulf %get3A_344, %broadcast_in_dim3A_330 : vector<16xf32>
        %swap3A_346 = arith.index_cast %add3A_327 : i32 to index
        %swap3A_347 = arith.constant 0 : index
        %swap3A_348 = tpu.vector_load %arg11[%swap3A_346, %swap3A_347] {strides = array<i32>} : memref<1026x16xf32, #tpu.memory_space<vmem>>, vector<1x16xf32>,
        %swap3A_349 = vector.shape_cast %swap3A_348 : vector<1x16xf32> to vector<16xf32>
        %swap3A_350 = vector.shape_cast %mul3A_345 : vector<16xf32> to vector<1x16xf32>
        tpu.vector_store %arg11[%swap3A_346, %swap3A_347], %swap3A_350 {strides = array<i32>} : memref<1026x16xf32, #tpu.memory_space<vmem>>, vector<1x16xf32>,
        %mul3A_351 = arith.constant 16 : i32
        %mul3A_352 = arith.muli %scan3A_86, %mul3A_351 : i32
        %add3A_353 = arith.constant 1 : i32
        %add3A_354 = arith.addi %add3A_353, %mul3A_352 : i32
        %add3A_355 = arith.constant 9 : i32
        %add3A_356 = arith.addi %add3A_354, %add3A_355 : i32
        %slice3A_357 = vector.extract_strided_slice %get3A_92 {offsets = [9], sizes = [1], strides = [1]} : vector<16xf32> to vector<1xf32>
        %squeeze3A_358 = vector.extract %slice3A_357[0] : f32 from vector<1xf32>
        %broadcast_in_dim3A_359 = vector.broadcast %squeeze3A_358 : f32 to vector<16xf32>
        %get3A_360 = arith.index_cast %add3A_356 : i32 to index
        %get3A_361 = arith.constant 0 : index
        %get3A_362 = tpu.vector_load %arg10[%get3A_360, %get3A_361] {strides = array<i32>} : memref<1026x16xf32, #tpu.memory_space<vmem>>, vector<1x16xf32>,
        %get3A_363 = vector.shape_cast %get3A_362 : vector<1x16xf32> to vector<16xf32>
        %mul3A_364 = arith.mulf %get3A_363, %broadcast_in_dim3A_359 : vector<16xf32>
        %swap3A_365 = arith.index_cast %add3A_356 : i32 to index
        %swap3A_366 = arith.constant 0 : index
        %swap3A_367 = tpu.vector_load %arg10[%swap3A_365, %swap3A_366] {strides = array<i32>} : memref<1026x16xf32, #tpu.memory_space<vmem>>, vector<1x16xf32>,
        %swap3A_368 = vector.shape_cast %swap3A_367 : vector<1x16xf32> to vector<16xf32>
        %swap3A_369 = vector.shape_cast %mul3A_364 : vector<16xf32> to vector<1x16xf32>
        tpu.vector_store %arg10[%swap3A_365, %swap3A_366], %swap3A_369 {strides = array<i32>} : memref<1026x16xf32, #tpu.memory_space<vmem>>, vector<1x16xf32>,
        %get3A_370 = arith.index_cast %add3A_356 : i32 to index
        %get3A_371 = arith.constant 0 : index
        %get3A_372 = tpu.vector_load %arg11[%get3A_370, %get3A_371] {strides = array<i32>} : memref<1026x16xf32, #tpu.memory_space<vmem>>, vector<1x16xf32>,
        %get3A_373 = vector.shape_cast %get3A_372 : vector<1x16xf32> to vector<16xf32>
        %mul3A_374 = arith.mulf %get3A_373, %broadcast_in_dim3A_359 : vector<16xf32>
        %swap3A_375 = arith.index_cast %add3A_356 : i32 to index
        %swap3A_376 = arith.constant 0 : index
        %swap3A_377 = tpu.vector_load %arg11[%swap3A_375, %swap3A_376] {strides = array<i32>} : memref<1026x16xf32, #tpu.memory_space<vmem>>, vector<1x16xf32>,
        %swap3A_378 = vector.shape_cast %swap3A_377 : vector<1x16xf32> to vector<16xf32>
        %swap3A_379 = vector.shape_cast %mul3A_374 : vector<16xf32> to vector<1x16xf32>
        tpu.vector_store %arg11[%swap3A_375, %swap3A_376], %swap3A_379 {strides = array<i32>} : memref<1026x16xf32, #tpu.memory_space<vmem>>, vector<1x16xf32>,
        %mul3A_380 = arith.constant 16 : i32
        %mul3A_381 = arith.muli %scan3A_86, %mul3A_380 : i32
        %add3A_382 = arith.constant 1 : i32
        %add3A_383 = arith.addi %add3A_382, %mul3A_381 : i32
        %add3A_384 = arith.constant 10 : i32
        %add3A_385 = arith.addi %add3A_383, %add3A_384 : i32
        %slice3A_386 = vector.extract_strided_slice %get3A_92 {offsets = [10], sizes = [1], strides = [1]} : vector<16xf32> to vector<1xf32>
        %squeeze3A_387 = vector.extract %slice3A_386[0] : f32 from vector<1xf32>
        %broadcast_in_dim3A_388 = vector.broadcast %squeeze3A_387 : f32 to vector<16xf32>
        %get3A_389 = arith.index_cast %add3A_385 : i32 to index
        %get3A_390 = arith.constant 0 : index
        %get3A_391 = tpu.vector_load %arg10[%get3A_389, %get3A_390] {strides = array<i32>} : memref<1026x16xf32, #tpu.memory_space<vmem>>, vector<1x16xf32>,
        %get3A_392 = vector.shape_cast %get3A_391 : vector<1x16xf32> to vector<16xf32>
        %mul3A_393 = arith.mulf %get3A_392, %broadcast_in_dim3A_388 : vector<16xf32>
        %swap3A_394 = arith.index_cast %add3A_385 : i32 to index
        %swap3A_395 = arith.constant 0 : index
        %swap3A_396 = tpu.vector_load %arg10[%swap3A_394, %swap3A_395] {strides = array<i32>} : memref<1026x16xf32, #tpu.memory_space<vmem>>, vector<1x16xf32>,
        %swap3A_397 = vector.shape_cast %swap3A_396 : vector<1x16xf32> to vector<16xf32>
        %swap3A_398 = vector.shape_cast %mul3A_393 : vector<16xf32> to vector<1x16xf32>
        tpu.vector_store %arg10[%swap3A_394, %swap3A_395], %swap3A_398 {strides = array<i32>} : memref<1026x16xf32, #tpu.memory_space<vmem>>, vector<1x16xf32>,
        %get3A_399 = arith.index_cast %add3A_385 : i32 to index
        %get3A_400 = arith.constant 0 : index
        %get3A_401 = tpu.vector_load %arg11[%get3A_399, %get3A_400] {strides = array<i32>} : memref<1026x16xf32, #tpu.memory_space<vmem>>, vector<1x16xf32>,
        %get3A_402 = vector.shape_cast %get3A_401 : vector<1x16xf32> to vector<16xf32>
        %mul3A_403 = arith.mulf %get3A_402, %broadcast_in_dim3A_388 : vector<16xf32>
        %swap3A_404 = arith.index_cast %add3A_385 : i32 to index
        %swap3A_405 = arith.constant 0 : index
        %swap3A_406 = tpu.vector_load %arg11[%swap3A_404, %swap3A_405] {strides = array<i32>} : memref<1026x16xf32, #tpu.memory_space<vmem>>, vector<1x16xf32>,
        %swap3A_407 = vector.shape_cast %swap3A_406 : vector<1x16xf32> to vector<16xf32>
        %swap3A_408 = vector.shape_cast %mul3A_403 : vector<16xf32> to vector<1x16xf32>
        tpu.vector_store %arg11[%swap3A_404, %swap3A_405], %swap3A_408 {strides = array<i32>} : memref<1026x16xf32, #tpu.memory_space<vmem>>, vector<1x16xf32>,
        %mul3A_409 = arith.constant 16 : i32
        %mul3A_410 = arith.muli %scan3A_86, %mul3A_409 : i32
        %add3A_411 = arith.constant 1 : i32
        %add3A_412 = arith.addi %add3A_411, %mul3A_410 : i32
        %add3A_413 = arith.constant 11 : i32
        %add3A_414 = arith.addi %add3A_412, %add3A_413 : i32
        %slice3A_415 = vector.extract_strided_slice %get3A_92 {offsets = [11], sizes = [1], strides = [1]} : vector<16xf32> to vector<1xf32>
        %squeeze3A_416 = vector.extract %slice3A_415[0] : f32 from vector<1xf32>
        %broadcast_in_dim3A_417 = vector.broadcast %squeeze3A_416 : f32 to vector<16xf32>
        %get3A_418 = arith.index_cast %add3A_414 : i32 to index
        %get3A_419 = arith.constant 0 : index
        %get3A_420 = tpu.vector_load %arg10[%get3A_418, %get3A_419] {strides = array<i32>} : memref<1026x16xf32, #tpu.memory_space<vmem>>, vector<1x16xf32>,
        %get3A_421 = vector.shape_cast %get3A_420 : vector<1x16xf32> to vector<16xf32>
        %mul3A_422 = arith.mulf %get3A_421, %broadcast_in_dim3A_417 : vector<16xf32>
        %swap3A_423 = arith.index_cast %add3A_414 : i32 to index
        %swap3A_424 = arith.constant 0 : index
        %swap3A_425 = tpu.vector_load %arg10[%swap3A_423, %swap3A_424] {strides = array<i32>} : memref<1026x16xf32, #tpu.memory_space<vmem>>, vector<1x16xf32>,
        %swap3A_426 = vector.shape_cast %swap3A_425 : vector<1x16xf32> to vector<16xf32>
        %swap3A_427 = vector.shape_cast %mul3A_422 : vector<16xf32> to vector<1x16xf32>
        tpu.vector_store %arg10[%swap3A_423, %swap3A_424], %swap3A_427 {strides = array<i32>} : memref<1026x16xf32, #tpu.memory_space<vmem>>, vector<1x16xf32>,
        %get3A_428 = arith.index_cast %add3A_414 : i32 to index
        %get3A_429 = arith.constant 0 : index
        %get3A_430 = tpu.vector_load %arg11[%get3A_428, %get3A_429] {strides = array<i32>} : memref<1026x16xf32, #tpu.memory_space<vmem>>, vector<1x16xf32>,
        %get3A_431 = vector.shape_cast %get3A_430 : vector<1x16xf32> to vector<16xf32>
        %mul3A_432 = arith.mulf %get3A_431, %broadcast_in_dim3A_417 : vector<16xf32>
        %swap3A_433 = arith.index_cast %add3A_414 : i32 to index
        %swap3A_434 = arith.constant 0 : index
        %swap3A_435 = tpu.vector_load %arg11[%swap3A_433, %swap3A_434] {strides = array<i32>} : memref<1026x16xf32, #tpu.memory_space<vmem>>, vector<1x16xf32>,
        %swap3A_436 = vector.shape_cast %swap3A_435 : vector<1x16xf32> to vector<16xf32>
        %swap3A_437 = vector.shape_cast %mul3A_432 : vector<16xf32> to vector<1x16xf32>
        tpu.vector_store %arg11[%swap3A_433, %swap3A_434], %swap3A_437 {strides = array<i32>} : memref<1026x16xf32, #tpu.memory_space<vmem>>, vector<1x16xf32>,
        %mul3A_438 = arith.constant 16 : i32
        %mul3A_439 = arith.muli %scan3A_86, %mul3A_438 : i32
        %add3A_440 = arith.constant 1 : i32
        %add3A_441 = arith.addi %add3A_440, %mul3A_439 : i32
        %add3A_442 = arith.constant 12 : i32
        %add3A_443 = arith.addi %add3A_441, %add3A_442 : i32
        %slice3A_444 = vector.extract_strided_slice %get3A_92 {offsets = [12], sizes = [1], strides = [1]} : vector<16xf32> to vector<1xf32>
        %squeeze3A_445 = vector.extract %slice3A_444[0] : f32 from vector<1xf32>
        %broadcast_in_dim3A_446 = vector.broadcast %squeeze3A_445 : f32 to vector<16xf32>
        %get3A_447 = arith.index_cast %add3A_443 : i32 to index
        %get3A_448 = arith.constant 0 : index
        %get3A_449 = tpu.vector_load %arg10[%get3A_447, %get3A_448] {strides = array<i32>} : memref<1026x16xf32, #tpu.memory_space<vmem>>, vector<1x16xf32>,
        %get3A_450 = vector.shape_cast %get3A_449 : vector<1x16xf32> to vector<16xf32>
        %mul3A_451 = arith.mulf %get3A_450, %broadcast_in_dim3A_446 : vector<16xf32>
        %swap3A_452 = arith.index_cast %add3A_443 : i32 to index
        %swap3A_453 = arith.constant 0 : index
        %swap3A_454 = tpu.vector_load %arg10[%swap3A_452, %swap3A_453] {strides = array<i32>} : memref<1026x16xf32, #tpu.memory_space<vmem>>, vector<1x16xf32>,
        %swap3A_455 = vector.shape_cast %swap3A_454 : vector<1x16xf32> to vector<16xf32>
        %swap3A_456 = vector.shape_cast %mul3A_451 : vector<16xf32> to vector<1x16xf32>
        tpu.vector_store %arg10[%swap3A_452, %swap3A_453], %swap3A_456 {strides = array<i32>} : memref<1026x16xf32, #tpu.memory_space<vmem>>, vector<1x16xf32>,
        %get3A_457 = arith.index_cast %add3A_443 : i32 to index
        %get3A_458 = arith.constant 0 : index
        %get3A_459 = tpu.vector_load %arg11[%get3A_457, %get3A_458] {strides = array<i32>} : memref<1026x16xf32, #tpu.memory_space<vmem>>, vector<1x16xf32>,
        %get3A_460 = vector.shape_cast %get3A_459 : vector<1x16xf32> to vector<16xf32>
        %mul3A_461 = arith.mulf %get3A_460, %broadcast_in_dim3A_446 : vector<16xf32>
        %swap3A_462 = arith.index_cast %add3A_443 : i32 to index
        %swap3A_463 = arith.constant 0 : index
        %swap3A_464 = tpu.vector_load %arg11[%swap3A_462, %swap3A_463] {strides = array<i32>} : memref<1026x16xf32, #tpu.memory_space<vmem>>, vector<1x16xf32>,
        %swap3A_465 = vector.shape_cast %swap3A_464 : vector<1x16xf32> to vector<16xf32>
        %swap3A_466 = vector.shape_cast %mul3A_461 : vector<16xf32> to vector<1x16xf32>
        tpu.vector_store %arg11[%swap3A_462, %swap3A_463], %swap3A_466 {strides = array<i32>} : memref<1026x16xf32, #tpu.memory_space<vmem>>, vector<1x16xf32>,
        %mul3A_467 = arith.constant 16 : i32
        %mul3A_468 = arith.muli %scan3A_86, %mul3A_467 : i32
        %add3A_469 = arith.constant 1 : i32
        %add3A_470 = arith.addi %add3A_469, %mul3A_468 : i32
        %add3A_471 = arith.constant 13 : i32
        %add3A_472 = arith.addi %add3A_470, %add3A_471 : i32
        %slice3A_473 = vector.extract_strided_slice %get3A_92 {offsets = [13], sizes = [1], strides = [1]} : vector<16xf32> to vector<1xf32>
        %squeeze3A_474 = vector.extract %slice3A_473[0] : f32 from vector<1xf32>
        %broadcast_in_dim3A_475 = vector.broadcast %squeeze3A_474 : f32 to vector<16xf32>
        %get3A_476 = arith.index_cast %add3A_472 : i32 to index
        %get3A_477 = arith.constant 0 : index
        %get3A_478 = tpu.vector_load %arg10[%get3A_476, %get3A_477] {strides = array<i32>} : memref<1026x16xf32, #tpu.memory_space<vmem>>, vector<1x16xf32>,
        %get3A_479 = vector.shape_cast %get3A_478 : vector<1x16xf32> to vector<16xf32>
        %mul3A_480 = arith.mulf %get3A_479, %broadcast_in_dim3A_475 : vector<16xf32>
        %swap3A_481 = arith.index_cast %add3A_472 : i32 to index
        %swap3A_482 = arith.constant 0 : index
        %swap3A_483 = tpu.vector_load %arg10[%swap3A_481, %swap3A_482] {strides = array<i32>} : memref<1026x16xf32, #tpu.memory_space<vmem>>, vector<1x16xf32>,
        %swap3A_484 = vector.shape_cast %swap3A_483 : vector<1x16xf32> to vector<16xf32>
        %swap3A_485 = vector.shape_cast %mul3A_480 : vector<16xf32> to vector<1x16xf32>
        tpu.vector_store %arg10[%swap3A_481, %swap3A_482], %swap3A_485 {strides = array<i32>} : memref<1026x16xf32, #tpu.memory_space<vmem>>, vector<1x16xf32>,
        %get3A_486 = arith.index_cast %add3A_472 : i32 to index
        %get3A_487 = arith.constant 0 : index
        %get3A_488 = tpu.vector_load %arg11[%get3A_486, %get3A_487] {strides = array<i32>} : memref<1026x16xf32, #tpu.memory_space<vmem>>, vector<1x16xf32>,
        %get3A_489 = vector.shape_cast %get3A_488 : vector<1x16xf32> to vector<16xf32>
        %mul3A_490 = arith.mulf %get3A_489, %broadcast_in_dim3A_475 : vector<16xf32>
        %swap3A_491 = arith.index_cast %add3A_472 : i32 to index
        %swap3A_492 = arith.constant 0 : index
        %swap3A_493 = tpu.vector_load %arg11[%swap3A_491, %swap3A_492] {strides = array<i32>} : memref<1026x16xf32, #tpu.memory_space<vmem>>, vector<1x16xf32>,
        %swap3A_494 = vector.shape_cast %swap3A_493 : vector<1x16xf32> to vector<16xf32>
        %swap3A_495 = vector.shape_cast %mul3A_490 : vector<16xf32> to vector<1x16xf32>
        tpu.vector_store %arg11[%swap3A_491, %swap3A_492], %swap3A_495 {strides = array<i32>} : memref<1026x16xf32, #tpu.memory_space<vmem>>, vector<1x16xf32>,
        %mul3A_496 = arith.constant 16 : i32
        %mul3A_497 = arith.muli %scan3A_86, %mul3A_496 : i32
        %add3A_498 = arith.constant 1 : i32
        %add3A_499 = arith.addi %add3A_498, %mul3A_497 : i32
        %add3A_500 = arith.constant 14 : i32
        %add3A_501 = arith.addi %add3A_499, %add3A_500 : i32
        %slice3A_502 = vector.extract_strided_slice %get3A_92 {offsets = [14], sizes = [1], strides = [1]} : vector<16xf32> to vector<1xf32>
        %squeeze3A_503 = vector.extract %slice3A_502[0] : f32 from vector<1xf32>
        %broadcast_in_dim3A_504 = vector.broadcast %squeeze3A_503 : f32 to vector<16xf32>
        %get3A_505 = arith.index_cast %add3A_501 : i32 to index
        %get3A_506 = arith.constant 0 : index
        %get3A_507 = tpu.vector_load %arg10[%get3A_505, %get3A_506] {strides = array<i32>} : memref<1026x16xf32, #tpu.memory_space<vmem>>, vector<1x16xf32>,
        %get3A_508 = vector.shape_cast %get3A_507 : vector<1x16xf32> to vector<16xf32>
        %mul3A_509 = arith.mulf %get3A_508, %broadcast_in_dim3A_504 : vector<16xf32>
        %swap3A_510 = arith.index_cast %add3A_501 : i32 to index
        %swap3A_511 = arith.constant 0 : index
        %swap3A_512 = tpu.vector_load %arg10[%swap3A_510, %swap3A_511] {strides = array<i32>} : memref<1026x16xf32, #tpu.memory_space<vmem>>, vector<1x16xf32>,
        %swap3A_513 = vector.shape_cast %swap3A_512 : vector<1x16xf32> to vector<16xf32>
        %swap3A_514 = vector.shape_cast %mul3A_509 : vector<16xf32> to vector<1x16xf32>
        tpu.vector_store %arg10[%swap3A_510, %swap3A_511], %swap3A_514 {strides = array<i32>} : memref<1026x16xf32, #tpu.memory_space<vmem>>, vector<1x16xf32>,
        %get3A_515 = arith.index_cast %add3A_501 : i32 to index
        %get3A_516 = arith.constant 0 : index
        %get3A_517 = tpu.vector_load %arg11[%get3A_515, %get3A_516] {strides = array<i32>} : memref<1026x16xf32, #tpu.memory_space<vmem>>, vector<1x16xf32>,
        %get3A_518 = vector.shape_cast %get3A_517 : vector<1x16xf32> to vector<16xf32>
        %mul3A_519 = arith.mulf %get3A_518, %broadcast_in_dim3A_504 : vector<16xf32>
        %swap3A_520 = arith.index_cast %add3A_501 : i32 to index
        %swap3A_521 = arith.constant 0 : index
        %swap3A_522 = tpu.vector_load %arg11[%swap3A_520, %swap3A_521] {strides = array<i32>} : memref<1026x16xf32, #tpu.memory_space<vmem>>, vector<1x16xf32>,
        %swap3A_523 = vector.shape_cast %swap3A_522 : vector<1x16xf32> to vector<16xf32>
        %swap3A_524 = vector.shape_cast %mul3A_519 : vector<16xf32> to vector<1x16xf32>
        tpu.vector_store %arg11[%swap3A_520, %swap3A_521], %swap3A_524 {strides = array<i32>} : memref<1026x16xf32, #tpu.memory_space<vmem>>, vector<1x16xf32>,
        %mul3A_525 = arith.constant 16 : i32
        %mul3A_526 = arith.muli %scan3A_86, %mul3A_525 : i32
        %add3A_527 = arith.constant 1 : i32
        %add3A_528 = arith.addi %add3A_527, %mul3A_526 : i32
        %add3A_529 = arith.constant 15 : i32
        %add3A_530 = arith.addi %add3A_528, %add3A_529 : i32
        %slice3A_531 = vector.extract_strided_slice %get3A_92 {offsets = [15], sizes = [1], strides = [1]} : vector<16xf32> to vector<1xf32>
        %squeeze3A_532 = vector.extract %slice3A_531[0] : f32 from vector<1xf32>
        %broadcast_in_dim3A_533 = vector.broadcast %squeeze3A_532 : f32 to vector<16xf32>
        %get3A_534 = arith.index_cast %add3A_530 : i32 to index
        %get3A_535 = arith.constant 0 : index
        %get3A_536 = tpu.vector_load %arg10[%get3A_534, %get3A_535] {strides = array<i32>} : memref<1026x16xf32, #tpu.memory_space<vmem>>, vector<1x16xf32>,
        %get3A_537 = vector.shape_cast %get3A_536 : vector<1x16xf32> to vector<16xf32>
        %mul3A_538 = arith.mulf %get3A_537, %broadcast_in_dim3A_533 : vector<16xf32>
        %swap3A_539 = arith.index_cast %add3A_530 : i32 to index
        %swap3A_540 = arith.constant 0 : index
        %swap3A_541 = tpu.vector_load %arg10[%swap3A_539, %swap3A_540] {strides = array<i32>} : memref<1026x16xf32, #tpu.memory_space<vmem>>, vector<1x16xf32>,
        %swap3A_542 = vector.shape_cast %swap3A_541 : vector<1x16xf32> to vector<16xf32>
        %swap3A_543 = vector.shape_cast %mul3A_538 : vector<16xf32> to vector<1x16xf32>
        tpu.vector_store %arg10[%swap3A_539, %swap3A_540], %swap3A_543 {strides = array<i32>} : memref<1026x16xf32, #tpu.memory_space<vmem>>, vector<1x16xf32>,
        %get3A_544 = arith.index_cast %add3A_530 : i32 to index
        %get3A_545 = arith.constant 0 : index
        %get3A_546 = tpu.vector_load %arg11[%get3A_544, %get3A_545] {strides = array<i32>} : memref<1026x16xf32, #tpu.memory_space<vmem>>, vector<1x16xf32>,
        %get3A_547 = vector.shape_cast %get3A_546 : vector<1x16xf32> to vector<16xf32>
        %mul3A_548 = arith.mulf %get3A_547, %broadcast_in_dim3A_533 : vector<16xf32>
        %swap3A_549 = arith.index_cast %add3A_530 : i32 to index
        %swap3A_550 = arith.constant 0 : index
        %swap3A_551 = tpu.vector_load %arg11[%swap3A_549, %swap3A_550] {strides = array<i32>} : memref<1026x16xf32, #tpu.memory_space<vmem>>, vector<1x16xf32>,
        %swap3A_552 = vector.shape_cast %swap3A_551 : vector<1x16xf32> to vector<16xf32>
        %swap3A_553 = vector.shape_cast %mul3A_548 : vector<16xf32> to vector<1x16xf32>
        tpu.vector_store %arg11[%swap3A_549, %swap3A_550], %swap3A_553 {strides = array<i32>} : memref<1026x16xf32, #tpu.memory_space<vmem>>, vector<1x16xf32>,
        %scan3A_554 = arith.constant 0 : i32
        scf.yield %scan3A_554 : i32
      }
      %scan3A_83 = arith.constant 64 : i32
      "tpu.region"() ({
        %run_scoped3A = tpu.sem_alloc : memref<!tpu.dma_semaphore, #tpu.memory_space<semaphore_mem>>
        %dma_start3A = arith.constant 0 : i32
        %dma_start3A_86 = arith.constant 0 : i32
        %dma_start3A_87 = tpu.memref_slice %arg10[%dma_start3A, %dma_start3A_86] : memref<1026x16xf32, #tpu.memory_space<vmem>> -> memref<1025x16xf32, #tpu.memory_space<vmem>>
        %dma_start3A_88 = arith.constant 0 : i32
        %dma_start3A_89 = tpu.memref_slice %arg5[%dma_start3A_88, %mul3A_37] : memref<1025x768xf32, #tpu.memory_space<hbm>> -> memref<1025x16xf32, #tpu.memory_space<hbm>>
        %dma_start3A_90 = arith.constant 0 : i32
        %dma_start3A_91 = tpu.memref_slice %arg5[%dma_start3A_90, %mul3A_37] : memref<1025x768xf32, #tpu.memory_space<hbm>> -> memref<1025x16xf32, #tpu.memory_space<hbm>>
        %dma_start3A_92 = arith.constant 0 : i32
        %dma_start3A_93 = arith.constant 0 : i32
        %dma_start3A_94 = tpu.memref_slice %arg10[%dma_start3A_92, %dma_start3A_93] : memref<1026x16xf32, #tpu.memory_space<vmem>> -> memref<1025x16xf32, #tpu.memory_space<vmem>>
        tpu.enqueue_dma source(%dma_start3A_94 : memref<1025x16xf32, #tpu.memory_space<vmem>>) target(%dma_start3A_91 : memref<1025x16xf32, #tpu.memory_space<hbm>>) target_semaphore(%run_scoped3A : memref<!tpu.dma_semaphore, #tpu.memory_space<semaphore_mem>>)
        %dma_wait3A = arith.constant 0 : i32
        %dma_wait3A_95 = arith.constant 0 : i32
        %dma_wait3A_96 = tpu.memref_slice %arg10[%dma_wait3A, %dma_wait3A_95] : memref<1026x16xf32, #tpu.memory_space<vmem>> -> memref<1025x16xf32, #tpu.memory_space<vmem>>
        %dma_wait3A_97 = arith.constant 0 : i32
        %dma_wait3A_98 = tpu.memref_slice %arg5[%dma_wait3A_97, %mul3A_37] : memref<1025x768xf32, #tpu.memory_space<hbm>> -> memref<1025x16xf32, #tpu.memory_space<hbm>>
        %dma_wait3A_99 = arith.constant 0 : i32
        %dma_wait3A_100 = tpu.memref_slice %arg5[%dma_wait3A_99, %mul3A_37] : memref<1025x768xf32, #tpu.memory_space<hbm>> -> memref<1025x16xf32, #tpu.memory_space<hbm>>
        %dma_wait3A_101 = arith.constant 0 : i32
        %dma_wait3A_102 = arith.constant 0 : i32
        %dma_wait3A_103 = tpu.memref_slice %arg10[%dma_wait3A_101, %dma_wait3A_102] : memref<1026x16xf32, #tpu.memory_space<vmem>> -> memref<1025x16xf32, #tpu.memory_space<vmem>>
        tpu.wait_dma2 semaphore(%run_scoped3A : memref<!tpu.dma_semaphore, #tpu.memory_space<semaphore_mem>>) src(%dma_wait3A_103 : memref<1025x16xf32, #tpu.memory_space<vmem>>) dst(%dma_wait3A_100 : memref<1025x16xf32, #tpu.memory_space<hbm>>)
        tpu.yield
      }) : () -> ()
      %add3A_84 = arith.constant 16 : i32
      %add3A_85 = arith.addi %mul3A_37, %add3A_84 : i32
      "tpu.region"() ({
        %run_scoped3A = tpu.sem_alloc : memref<!tpu.dma_semaphore, #tpu.memory_space<semaphore_mem>>
        %dma_start3A = arith.constant 0 : i32
        %dma_start3A_86 = arith.constant 0 : i32
        %dma_start3A_87 = tpu.memref_slice %arg11[%dma_start3A, %dma_start3A_86] : memref<1026x16xf32, #tpu.memory_space<vmem>> -> memref<1025x16xf32, #tpu.memory_space<vmem>>
        %dma_start3A_88 = arith.constant 0 : i32
        %dma_start3A_89 = tpu.memref_slice %arg5[%dma_start3A_88, %add3A_85] : memref<1025x768xf32, #tpu.memory_space<hbm>> -> memref<1025x16xf32, #tpu.memory_space<hbm>>
        %dma_start3A_90 = arith.constant 0 : i32
        %dma_start3A_91 = tpu.memref_slice %arg5[%dma_start3A_90, %add3A_85] : memref<1025x768xf32, #tpu.memory_space<hbm>> -> memref<1025x16xf32, #tpu.memory_space<hbm>>
        %dma_start3A_92 = arith.constant 0 : i32
        %dma_start3A_93 = arith.constant 0 : i32
        %dma_start3A_94 = tpu.memref_slice %arg11[%dma_start3A_92, %dma_start3A_93] : memref<1026x16xf32, #tpu.memory_space<vmem>> -> memref<1025x16xf32, #tpu.memory_space<vmem>>
        tpu.enqueue_dma source(%dma_start3A_94 : memref<1025x16xf32, #tpu.memory_space<vmem>>) target(%dma_start3A_91 : memref<1025x16xf32, #tpu.memory_space<hbm>>) target_semaphore(%run_scoped3A : memref<!tpu.dma_semaphore, #tpu.memory_space<semaphore_mem>>)
        %dma_wait3A = arith.constant 0 : i32
        %dma_wait3A_95 = arith.constant 0 : i32
        %dma_wait3A_96 = tpu.memref_slice %arg11[%dma_wait3A, %dma_wait3A_95] : memref<1026x16xf32, #tpu.memory_space<vmem>> -> memref<1025x16xf32, #tpu.memory_space<vmem>>
        %dma_wait3A_97 = arith.constant 0 : i32
        %dma_wait3A_98 = tpu.memref_slice %arg5[%dma_wait3A_97, %add3A_85] : memref<1025x768xf32, #tpu.memory_space<hbm>> -> memref<1025x16xf32, #tpu.memory_space<hbm>>
        %dma_wait3A_99 = arith.constant 0 : i32
        %dma_wait3A_100 = tpu.memref_slice %arg5[%dma_wait3A_99, %add3A_85] : memref<1025x768xf32, #tpu.memory_space<hbm>> -> memref<1025x16xf32, #tpu.memory_space<hbm>>
        %dma_wait3A_101 = arith.constant 0 : i32
        %dma_wait3A_102 = arith.constant 0 : i32
        %dma_wait3A_103 = tpu.memref_slice %arg11[%dma_wait3A_101, %dma_wait3A_102] : memref<1026x16xf32, #tpu.memory_space<vmem>> -> memref<1025x16xf32, #tpu.memory_space<vmem>>
        tpu.wait_dma2 semaphore(%run_scoped3A : memref<!tpu.dma_semaphore, #tpu.memory_space<semaphore_mem>>) src(%dma_wait3A_103 : memref<1025x16xf32, #tpu.memory_space<vmem>>) dst(%dma_wait3A_100 : memref<1025x16xf32, #tpu.memory_space<hbm>>)
        tpu.yield
      }) : () -> ()
    } else {
    }
    return
  }
}

module attributes {stable_mosaic.version = 14 : i64} {
  func.func @_tc_body(%arg0: memref<12x64x2048xf32, #tpu.memory_space<vmem>>, %arg1: memref<2048x1xf32, #tpu.memory_space<vmem>>, %arg2: memref<2048x1xi32, #tpu.memory_space<vmem>>, %arg3: memref<1024x1xf32, #tpu.memory_space<vmem>>, %arg4: memref<1025x1xf32, #tpu.memory_space<vmem>>) attributes {dimension_semantics = [], scalar_prefetch = 0 : i64, scratch_operands = 0 : i64, tpu.core_type = #tpu.core_type<tc>} {
    %get3A = arith.constant 0 : index
    %get3A_0 = arith.constant 0 : index
    %get3A_1 = arith.constant 0 : index
    %get3A_2 = vector.load %arg0[%get3A, %get3A_0, %get3A_1] : memref<12x64x2048xf32, #tpu.memory_space<vmem>>, vector<12x64x2048xf32>
    %reduce_sum3A = arith.constant dense<0.000000e+00> : vector<64x2048xf32>
    %reduce_sum3A_3 = vector.multi_reduction <add>, %get3A_2, %reduce_sum3A [0] : vector<12x64x2048xf32> to vector<64x2048xf32>
    %div3A = arith.constant 1.200000e+01 : f32
    %div3A_4 = vector.broadcast %div3A : f32 to vector<64x2048xf32>
    %div3A_5 = arith.divf %reduce_sum3A_3, %div3A_4 : vector<64x2048xf32>
    %transpose3A = tpu.transpose %div3A_5, [1, 0] : vector<64x2048xf32> -> vector<2048x64xf32>
    %mul3A = arith.mulf %transpose3A, %transpose3A : vector<2048x64xf32>
    %reduce_sum3A_6 = arith.constant dense<0.000000e+00> : vector<2048xf32>
    %reduce_sum3A_7 = vector.multi_reduction <add>, %mul3A, %reduce_sum3A_6 [1] : vector<2048x64xf32> to vector<2048xf32>
    %broadcast_in_dim3A = vector.shape_cast %reduce_sum3A_7 : vector<2048xf32> to vector<2048x1xf32>
    %sqrt3A = math.sqrt %broadcast_in_dim3A : vector<2048x1xf32>
    %div3A_8 = vector.broadcast %sqrt3A : vector<2048x1xf32> to vector<2048x64xf32>
    %div3A_9 = arith.divf %transpose3A, %div3A_8 : vector<2048x64xf32>
    %iota3A = tpu.iota {dimensions = array<i32: 1>} : vector<1024x2048xi32>
    %iota3A_10 = tpu.iota {dimensions = array<i32: 0>} : vector<1024x1xi32>
    %mul3A_11 = arith.constant 2 : i32
    %mul3A_12 = vector.broadcast %mul3A_11 : i32 to vector<1024x1xi32>
    %mul3A_13 = arith.muli %mul3A_12, %iota3A_10 : vector<1024x1xi32>
    %add3A = arith.constant 1 : i32
    %add3A_14 = vector.broadcast %add3A : i32 to vector<1024x1xi32>
    %add3A_15 = arith.addi %mul3A_13, %add3A_14 : vector<1024x1xi32>
    %eq3A = vector.broadcast %add3A_15 : vector<1024x1xi32> to vector<1024x2048xi32>
    %eq3A_16 = arith.cmpi eq, %iota3A, %eq3A : vector<1024x2048xi32>
    %jit3A = arith.constant 1.000000e+00 : f32
    %jit3A_17 = arith.constant 0.000000e+00 : f32
    %broadcast_in_dim3A_18 = vector.broadcast %jit3A : f32 to vector<1024x2048xf32>
    %broadcast_in_dim3A_19 = vector.broadcast %jit3A_17 : f32 to vector<1024x2048xf32>
    %select_n3A = arith.select %eq3A_16, %broadcast_in_dim3A_18, %broadcast_in_dim3A_19 : vector<1024x2048xi1>, vector<1024x2048xf32>
    %dot_general3A = arith.constant dense<0.000000e+00> : vector<1024x64xf32>
    %dot_general3A_20 = tpu.matmul %select_n3A, %div3A_9, %dot_general3A {dimension_numbers = #tpu.dot_dimension_numbers<[1], [0], [0], [1], [0, 0, 1, 1], [], []>, precision = #tpu.contract_precision<fp32>, transpose_lhs_hint = false} : vector<1024x2048xf32>, vector<2048x64xf32>, vector<1024x64xf32> -> vector<1024x64xf32>
    %dot_general3A_21 = arith.constant dense<0.000000e+00> : vector<2048x1024xf32>
    %dot_general3A_22 = tpu.matmul %div3A_9, %dot_general3A_20, %dot_general3A_21 {dimension_numbers = #tpu.dot_dimension_numbers<[1], [1], [0], [0], [0, 0, 1, 0], [], []>, transpose_lhs_hint = false} : vector<2048x64xf32>, vector<1024x64xf32>, vector<2048x1024xf32> -> vector<2048x1024xf32>
    %reduce_max3A = arith.constant dense<0xFF800000> : vector<2048xf32>
    %reduce_max3A_23 = vector.multi_reduction <maximumf>, %dot_general3A_22, %reduce_max3A [1] : vector<2048x1024xf32> to vector<2048xf32>
    %broadcast_in_dim3A_24 = vector.shape_cast %reduce_max3A_23 : vector<2048xf32> to vector<2048x1xf32>
    %iota3A_25 = tpu.iota {dimensions = array<i32: 1>} : vector<2048x1024xi32>
    %eq3A_26 = vector.broadcast %broadcast_in_dim3A_24 : vector<2048x1xf32> to vector<2048x1024xf32>
    %eq3A_27 = arith.cmpf oeq, %dot_general3A_22, %eq3A_26 : vector<2048x1024xf32>
    %jit3A_28 = arith.constant 1024 : i32
    %broadcast_in_dim3A_29 = vector.broadcast %jit3A_28 : i32 to vector<2048x1024xi32>
    %select_n3A_30 = arith.select %eq3A_27, %iota3A_25, %broadcast_in_dim3A_29 : vector<2048x1024xi1>, vector<2048x1024xi32>
    %reduce_min3A = arith.constant dense<2147483647> : vector<2048xi32>
    %reduce_min3A_31 = vector.multi_reduction <minsi>, %select_n3A_30, %reduce_min3A [1] : vector<2048x1024xi32> to vector<2048xi32>
    %broadcast_in_dim3A_32 = vector.shape_cast %reduce_min3A_31 : vector<2048xi32> to vector<2048x1xi32>
    %iota3A_33 = tpu.iota {dimensions = array<i32: 0>} : vector<2048x1xi32>
    %jit3A_34 = arith.constant 2 : i32
    %eq3A_35 = arith.constant 0 : i32
    %eq3A_36 = arith.cmpi eq, %jit3A_34, %eq3A_35 : i32
    %jit3A_37 = arith.constant 1 : i32
    %select_n3A_38 = arith.select %eq3A_36, %jit3A_37, %jit3A_34 : i32
    %rem3A = vector.broadcast %select_n3A_38 : i32 to vector<2048x1xi32>
    %rem3A_39 = arith.remsi %iota3A_33, %rem3A : vector<2048x1xi32>
    %ne3A = arith.constant 0 : i32
    %ne3A_40 = vector.broadcast %ne3A : i32 to vector<2048x1xi32>
    %ne3A_41 = arith.cmpi ne, %rem3A_39, %ne3A_40 : vector<2048x1xi32>
    %lt3A = arith.constant 0 : i32
    %lt3A_42 = vector.broadcast %lt3A : i32 to vector<2048x1xi32>
    %lt3A_43 = arith.cmpi slt, %rem3A_39, %lt3A_42 : vector<2048x1xi32>
    %lt3A_44 = arith.constant 0 : i32
    %lt3A_45 = arith.cmpi slt, %select_n3A_38, %lt3A_44 : i32
    %ne3A_46 = vector.broadcast %lt3A_45 : i1 to vector<2048x1xi1>
    %ne3A_47 = vector.broadcast %ne3A_46 : vector<2048x1xi1> to vector<2048x1xi1>
    %ne3A_48 = arith.xori %lt3A_43, %ne3A_47 : vector<2048x1xi1>
    %and3A = arith.andi %ne3A_48, %ne3A_41 : vector<2048x1xi1>
    %add3A_49 = vector.broadcast %select_n3A_38 : i32 to vector<2048x1xi32>
    %add3A_50 = arith.addi %rem3A_39, %add3A_49 : vector<2048x1xi32>
    %select_n3A_51 = arith.select %and3A, %add3A_50, %rem3A_39 : vector<2048x1xi1>, vector<2048x1xi32>
    %eq3A_52 = arith.constant 0 : i32
    %eq3A_53 = vector.broadcast %eq3A_52 : i32 to vector<2048x1xi32>
    %eq3A_54 = arith.cmpi eq, %select_n3A_51, %eq3A_53 : vector<2048x1xi32>
    %ge3A = arith.constant 2 : i32
    %ge3A_55 = vector.broadcast %ge3A : i32 to vector<2048x1xi32>
    %ge3A_56 = arith.cmpi sge, %iota3A_33, %ge3A_55 : vector<2048x1xi32>
    %and3A_57 = arith.andi %eq3A_54, %ge3A_56 : vector<2048x1xi1>
    %eq3A_58 = vector.broadcast %broadcast_in_dim3A_32 : vector<2048x1xi32> to vector<2048x1024xi32>
    %eq3A_59 = arith.cmpi eq, %iota3A_25, %eq3A_58 : vector<2048x1024xi32>
    %and3A_60 = vector.broadcast %and3A_57 : vector<2048x1xi1> to vector<2048x1024xi1>
    %and3A_61 = arith.andi %and3A_60, %eq3A_59 : vector<2048x1024xi1>
    %mul3A_62 = arith.constant 2 : i32
    %mul3A_63 = vector.broadcast %mul3A_62 : i32 to vector<2048x1024xi32>
    %mul3A_64 = arith.muli %mul3A_63, %iota3A_25 : vector<2048x1024xi32>
    %add3A_65 = arith.constant 1 : i32
    %add3A_66 = vector.broadcast %add3A_65 : i32 to vector<2048x1024xi32>
    %add3A_67 = arith.addi %mul3A_64, %add3A_66 : vector<2048x1024xi32>
    %eq3A_68 = vector.broadcast %iota3A_33 : vector<2048x1xi32> to vector<2048x1024xi32>
    %eq3A_69 = arith.cmpi eq, %eq3A_68, %add3A_67 : vector<2048x1024xi32>
    %or3A = arith.ori %and3A_61, %eq3A_69 : vector<2048x1024xi1>
    %jit3A_70 = arith.constant 1.000000e+00 : f32
    %jit3A_71 = arith.constant 0.000000e+00 : f32
    %broadcast_in_dim3A_72 = vector.broadcast %jit3A_70 : f32 to vector<2048x1024xf32>
    %broadcast_in_dim3A_73 = vector.broadcast %jit3A_71 : f32 to vector<2048x1024xf32>
    %select_n3A_74 = arith.select %or3A, %broadcast_in_dim3A_72, %broadcast_in_dim3A_73 : vector<2048x1024xi1>, vector<2048x1024xf32>
    %broadcast_in_dim3A_75 = arith.constant 1.000000e+00 : f32
    %broadcast_in_dim3A_76 = vector.broadcast %broadcast_in_dim3A_75 : f32 to vector<2048x1xf32>
    %dot_general3A_77 = arith.constant dense<0.000000e+00> : vector<1024x1xf32>
    %dot_general3A_78 = tpu.matmul %select_n3A_74, %broadcast_in_dim3A_76, %dot_general3A_77 {dimension_numbers = #tpu.dot_dimension_numbers<[0], [0], [1], [1], [0, 1, 1, 1], [], []>, transpose_lhs_hint = false} : vector<2048x1024xf32>, vector<2048x1xf32>, vector<1024x1xf32> -> vector<1024x1xf32>
    %get3A_79 = arith.constant 0 : index
    %get3A_80 = arith.constant 0 : index
    %get3A_81 = vector.load %arg1[%get3A_79, %get3A_80] : memref<2048x1xf32, #tpu.memory_space<vmem>>, vector<2048x1xf32>
    %dot_general3A_82 = arith.constant dense<0.000000e+00> : vector<1024x1xf32>
    %dot_general3A_83 = tpu.matmul %select_n3A_74, %get3A_81, %dot_general3A_82 {dimension_numbers = #tpu.dot_dimension_numbers<[0], [0], [1], [1], [0, 1, 1, 1], [], []>, transpose_lhs_hint = false} : vector<2048x1024xf32>, vector<2048x1xf32>, vector<1024x1xf32> -> vector<1024x1xf32>
    %jit3A_84 = arith.constant 2 : i32
    %eq3A_85 = arith.constant 0 : i32
    %eq3A_86 = arith.cmpi eq, %jit3A_84, %eq3A_85 : i32
    %jit3A_87 = arith.constant 1 : i32
    %select_n3A_88 = arith.select %eq3A_86, %jit3A_87, %jit3A_84 : i32
    %rem3A_89 = vector.broadcast %select_n3A_88 : i32 to vector<2048x1xi32>
    %rem3A_90 = arith.remsi %iota3A_33, %rem3A_89 : vector<2048x1xi32>
    %ne3A_91 = arith.constant 0 : i32
    %ne3A_92 = vector.broadcast %ne3A_91 : i32 to vector<2048x1xi32>
    %ne3A_93 = arith.cmpi ne, %rem3A_90, %ne3A_92 : vector<2048x1xi32>
    %lt3A_94 = arith.constant 0 : i32
    %lt3A_95 = vector.broadcast %lt3A_94 : i32 to vector<2048x1xi32>
    %lt3A_96 = arith.cmpi slt, %rem3A_90, %lt3A_95 : vector<2048x1xi32>
    %lt3A_97 = arith.constant 0 : i32
    %lt3A_98 = arith.cmpi slt, %select_n3A_88, %lt3A_97 : i32
    %ne3A_99 = vector.broadcast %lt3A_98 : i1 to vector<2048x1xi1>
    %ne3A_100 = vector.broadcast %ne3A_99 : vector<2048x1xi1> to vector<2048x1xi1>
    %ne3A_101 = arith.xori %lt3A_96, %ne3A_100 : vector<2048x1xi1>
    %and3A_102 = arith.andi %ne3A_101, %ne3A_93 : vector<2048x1xi1>
    %add3A_103 = vector.broadcast %select_n3A_88 : i32 to vector<2048x1xi32>
    %add3A_104 = arith.addi %rem3A_90, %add3A_103 : vector<2048x1xi32>
    %select_n3A_105 = arith.select %and3A_102, %add3A_104, %rem3A_90 : vector<2048x1xi1>, vector<2048x1xi32>
    %eq3A_106 = arith.constant 1 : i32
    %eq3A_107 = vector.broadcast %eq3A_106 : i32 to vector<2048x1xi32>
    %eq3A_108 = arith.cmpi eq, %select_n3A_105, %eq3A_107 : vector<2048x1xi32>
    %sub3A = arith.constant 1 : i32
    %sub3A_109 = vector.broadcast %sub3A : i32 to vector<2048x1xi32>
    %sub3A_110 = arith.subi %iota3A_33, %sub3A_109 : vector<2048x1xi32>
    %jit3A_111 = arith.constant 2 : i32
    %div3A_112 = vector.broadcast %jit3A_111 : i32 to vector<2048x1xi32>
    %div3A_113 = arith.divsi %sub3A_110, %div3A_112 : vector<2048x1xi32>
    %sign3A = arith.constant 0 : i32
    %sign3A_114 = vector.broadcast %sign3A : i32 to vector<2048x1xi32>
    %sign3A_115 = arith.cmpi sgt, %sub3A_110, %sign3A_114 : vector<2048x1xi32>
    %sign3A_116 = arith.extui %sign3A_115 : vector<2048x1xi1> to vector<2048x1xi32>
    %sign3A_117 = arith.constant 0 : i32
    %sign3A_118 = vector.broadcast %sign3A_117 : i32 to vector<2048x1xi32>
    %sign3A_119 = arith.cmpi slt, %sub3A_110, %sign3A_118 : vector<2048x1xi32>
    %sign3A_120 = arith.extui %sign3A_119 : vector<2048x1xi1> to vector<2048x1xi32>
    %sign3A_121 = arith.subi %sign3A_116, %sign3A_120 : vector<2048x1xi32>
    %sign3A_122 = arith.constant 0 : i32
    %sign3A_123 = arith.cmpi sgt, %jit3A_111, %sign3A_122 : i32
    %sign3A_124 = arith.extui %sign3A_123 : i1 to i32
    %sign3A_125 = arith.constant 0 : i32
    %sign3A_126 = arith.cmpi slt, %jit3A_111, %sign3A_125 : i32
    %sign3A_127 = arith.extui %sign3A_126 : i1 to i32
    %sign3A_128 = arith.subi %sign3A_124, %sign3A_127 : i32
    %ne3A_129 = vector.broadcast %sign3A_128 : i32 to vector<2048x1xi32>
    %ne3A_130 = arith.cmpi ne, %sign3A_121, %ne3A_129 : vector<2048x1xi32>
    %rem3A_131 = vector.broadcast %jit3A_111 : i32 to vector<2048x1xi32>
    %rem3A_132 = arith.remsi %sub3A_110, %rem3A_131 : vector<2048x1xi32>
    %ne3A_133 = arith.constant 0 : i32
    %ne3A_134 = vector.broadcast %ne3A_133 : i32 to vector<2048x1xi32>
    %ne3A_135 = arith.cmpi ne, %rem3A_132, %ne3A_134 : vector<2048x1xi32>
    %and3A_136 = arith.andi %ne3A_130, %ne3A_135 : vector<2048x1xi1>
    %sub3A_137 = arith.constant 1 : i32
    %sub3A_138 = vector.broadcast %sub3A_137 : i32 to vector<2048x1xi32>
    %sub3A_139 = arith.subi %div3A_113, %sub3A_138 : vector<2048x1xi32>
    %select_n3A_140 = arith.select %and3A_136, %sub3A_139, %div3A_113 : vector<2048x1xi1>, vector<2048x1xi32>
    %add3A_141 = arith.constant 1 : i32
    %add3A_142 = vector.broadcast %add3A_141 : i32 to vector<2048x1xi32>
    %add3A_143 = arith.addi %add3A_142, %select_n3A_140 : vector<2048x1xi32>
    %eq3A_144 = arith.constant 0 : i32
    %eq3A_145 = vector.broadcast %eq3A_144 : i32 to vector<2048x1xi32>
    %eq3A_146 = arith.cmpi eq, %iota3A_33, %eq3A_145 : vector<2048x1xi32>
    %add3A_147 = arith.constant 1 : i32
    %add3A_148 = vector.broadcast %add3A_147 : i32 to vector<2048x1xi32>
    %add3A_149 = arith.addi %add3A_148, %broadcast_in_dim3A_32 : vector<2048x1xi32>
    %jit3A_150 = arith.constant 1025 : i32
    %broadcast_in_dim3A_151 = vector.broadcast %jit3A_150 : i32 to vector<2048x1xi32>
    %select_n3A_152 = arith.select %eq3A_146, %broadcast_in_dim3A_151, %add3A_149 : vector<2048x1xi1>, vector<2048x1xi32>
    %select_n3A_153 = arith.select %eq3A_108, %add3A_143, %select_n3A_152 : vector<2048x1xi1>, vector<2048x1xi32>
    %swap3A = arith.constant 0 : index
    %swap3A_154 = arith.constant 0 : index
    %swap3A_155 = vector.load %arg2[%swap3A, %swap3A_154] : memref<2048x1xi32, #tpu.memory_space<vmem>>, vector<2048x1xi32>
    tpu.vector_store %arg2[%swap3A, %swap3A_154], %select_n3A_153 {strides = array<i32>} : memref<2048x1xi32, #tpu.memory_space<vmem>>, vector<2048x1xi32>,
    %div3A_156 = arith.constant 1.000000e+00 : f32
    %div3A_157 = vector.broadcast %div3A_156 : f32 to vector<1024x1xf32>
    %div3A_158 = arith.divf %div3A_157, %dot_general3A_78 : vector<1024x1xf32>
    %swap3A_159 = arith.constant 0 : index
    %swap3A_160 = arith.constant 0 : index
    %swap3A_161 = vector.load %arg3[%swap3A_159, %swap3A_160] : memref<1024x1xf32, #tpu.memory_space<vmem>>, vector<1024x1xf32>
    tpu.vector_store %arg3[%swap3A_159, %swap3A_160], %div3A_158 {strides = array<i32>} : memref<1024x1xf32, #tpu.memory_space<vmem>>, vector<1024x1xf32>,
    %get3A_162 = arith.constant 0 : index
    %get3A_163 = arith.constant 0 : index
    %get3A_164 = vector.load %arg1[%get3A_162, %get3A_163] : memref<2048x1xf32, #tpu.memory_space<vmem>>, vector<1x1xf32>
    %swap3A_165 = arith.constant 0 : index
    %swap3A_166 = arith.constant 0 : index
    %swap3A_167 = vector.load %arg4[%swap3A_165, %swap3A_166] : memref<1025x1xf32, #tpu.memory_space<vmem>>, vector<1x1xf32>
    tpu.vector_store %arg4[%swap3A_165, %swap3A_166], %get3A_164 {strides = array<i32>} : memref<1025x1xf32, #tpu.memory_space<vmem>>, vector<1x1xf32>,
    %swap3A_168 = arith.constant 1 : index
    %swap3A_169 = arith.constant 0 : index
    %swap3A_170 = vector.load %arg4[%swap3A_168, %swap3A_169] : memref<1025x1xf32, #tpu.memory_space<vmem>>, vector<1024x1xf32>
    tpu.vector_store %arg4[%swap3A_168, %swap3A_169], %dot_general3A_83 {strides = array<i32>} : memref<1025x1xf32, #tpu.memory_space<vmem>>, vector<1024x1xf32>,
    return
  }
}

</mosaic_0001>

<sc_bundles>
// kernel: kernel.4.cloned.1.call-start
scs
__scs_entry_jumppad:
0x0: {  	(pc) =	sbr.rel $0x88, $3  }
0x1: {  	(tag) =	ssettag $0x0;
	lr =	simm.s32 $0x1  }
0x2: {  	[smem:$0x3F9E] =	sst lr;
	_ =	strace $0xD0000000  }
0x3: {  	_ = 	snop  }
0x4: {  	_ = 	snop  }
0x5: {  	_ = 	snop  }
0x6: {  	_ = 	snop  }
0x7: {  	_ = 	snop  }
__scs_overlays_trampoline_lowered:
0x8: {  	[smem:$0x3FAD] =	sst s0  }
0x9: {  	[smem:$0x3FAE] =	sst s1  }
0xa: {  	[smem:$0x3FAF] =	sst s2  }
0xb: {  	[smem:$0x3FB0] =	sst s3  }
0xc: {  	[smem:$0x3FB1] =	sst s4  }
0xd: {  	[smem:$0x3FB2] =	sst s5  }
0xe: {  	[smem:$0x3FB3] =	sst s6  }
0xf: {  	[smem:$0x3FB4] =	sst s7  }
0x10: {  	[smem:$0x3FB5] =	sst s8  }
0x11: {  	[smem:$0x3FB6] =	sst s9;
	s0 =	simm.s32 @!p0 $0x0  }
0x12: {  	s1 =	sld [smem:$0x3F9C];
	s0 =	simm.s32 @p0 $0x1  }
0x13: {  	[smem:$0x3FB7] =	sst s0;
	s0 =	simm.s32 @!p1 $0x0  }
0x14: {  	s2 =	sld [smem:$0x3F9B];
	s0 =	simm.s32 @p1 $0x1  }
0x15: {  	[smem:$0x3FB8] =	sst s0;
	s0 =	simm.s32 @!p2 $0x0  }
0x16: {  	s3 =	sld [smem:$0x3FDB];
	s0 =	simm.s32 @p2 $0x1  }
0x17: {  	s4 =	simm.s32 $0x1BF5;
	[smem:$0x3FBA] =	sst s0  }
0x18: {  	s0 =	sld [smem:$0x3F9D];
	_ =	swait.ge [sflag:s4], $0x0  }
0x19: {  	s7 =	sld [smem:$0x3F9E]  }
0x1a: {  	s8 =	sadd.s32 $0xFFFFE003, lr  }
0x1b: {  	s9 =	sadd.s32 $0xFFFFFEF7, lr;
	s5 =	simm.s32 $0xFFFFFFFF;
	p2 =	slt.u32 s8, $0xFFFFF086  }
0x1c: {  	p1 =	slt.u32 s9, $0xF7A;
	s5 =	simm.s32 @!p2 $0x0  }
0x1d: {  	s5 =	simm.s32 @p1 $0x1;
	p0 =	seq.s32 s7, s2  }
0x1e: {  	s7 =	smul.u32 @!p0 $0xF7A, s2;
	p2 =	seq.s32 @!p0 s5, $0x0  }
0x1f: {  	s9 =	smul.u32 $0xF7A, s1;
	s8 =	simm.s32 @!p0 $0x1BF5;
	p2 =	por !p2, p0  }
0x20: {  	[sflag:s8] =	ssyncset.s32 @!p0 $0xFFFFF086;
	s6 =	sadd.s32 @!p0 s3, s7;
	s7 =	simm.s32 @!p0 $0x108  }
0x21: {  	s3 =	sadd.s32 s3, s9;
	s6 =	sadd.s32 @!p0 $0x88, s6;
	s7 =	simm.s32 @p2 $0x1082  }
0x22: {  	[simem:s7], [sflag:s8] =	dma.local @!p0 [hbm:s6], $0xF7A  }
0x23: {  	s9 =	sor.u32 $0xD0000000, s2;
	s6 =	simm.s32 $0x108;
	_ =	swait.ge @!p0 [sflag:s8], $0x0  }
0x24: {  	s3 =	sadd.s32 $0x88, s3;
	s6 =	simm.s32 @!p1 $0x1082;
	[sflag:s4] =	ssyncset.s32 $0xFFFFF086  }
0x25: {  	[simem:s6], [sflag:s4] =	dma.local [hbm:s3], $0xF7A  }
0x26: {  	[smem:$0x3F9E] =	sst s1;
	(tag) =	ssettag s2;
	_ =	strace s9  }
0x27: {  	s1 =	sld [smem:$0x3FAE]  }
0x28: {  	s2 =	sld [smem:$0x3FAF]  }
0x29: {  	s4 =	sld [smem:$0x3FB1]  }
0x2a: {  	p0 =	seq.s32 s5, $0x0;
	s5 =	sld [smem:$0x3FB2]  }
0x2b: {  	s6 =	sld [smem:$0x3FB3]  }
0x2c: {  	s7 =	sld [smem:$0x3FB4]  }
0x2d: {  	s3 =	simm.s32 $0x108;
	s8 =	sld [smem:$0x3FB5]  }
0x2e: {  	s3 =	simm.s32 @!p0 $0x1082;
	s9 =	sld [smem:$0x3FB6]  }
0x2f: {  	lr =	sadd.s32 s0, s3;
	s0 =	sld [smem:$0x3FAD]  }
0x30: {  	s3 =	sld [smem:$0x3FB0]  }
0x31: {  	[smem:$0x3FB9] =	sst s10  }
0x32: {  	s10 =	sld [smem:$0x3FB7];
	_ =	sdelay $0x3  }
0x33: {  	p0 =	seq.s32 s10, $0x1;
	s10 =	sld [smem:$0x3FB9];
	_ =	sdelay $0x3  }
0x34: {  	[smem:$0x3FB9] =	sst s10  }
0x35: {  	s10 =	sld [smem:$0x3FB8];
	_ =	sdelay $0x3  }
0x36: {  	p1 =	seq.s32 s10, $0x1;
	s10 =	sld [smem:$0x3FB9];
	_ =	sdelay $0x3  }
0x37: {  	[smem:$0x3FB9] =	sst s10  }
0x38: {  	s10 =	sld [smem:$0x3FBA]  }
0x39: {  	_ = 	snop;
	(pc) =	sbr.ind lr, $3  }
0x3a: {  	_ = 	snop  }
0x3b: {  	_ = 	snop  }
0x3c: {  	p2 =	seq.s32 s10, $0x1;
	s10 =	sld [smem:$0x3FB9]  }
0x3d: {  	_ =	shalt  }
0x3e: {  	_ =	shalt  }
0x3f: {  	_ =	shalt  }
0x40: {  	_ =	shalt  }
0x41: {  	_ =	shalt  }
0x42: {  	_ =	shalt  }
0x43: {  	_ =	shalt  }
0x44: {  	_ =	shalt  }
0x45: {  	_ =	shalt  }
0x46: {  	_ =	shalt  }
0x47: {  	_ =	shalt  }
0x48: {  	_ =	shalt  }
0x49: {  	_ =	shalt  }
0x4a: {  	_ =	shalt  }
0x4b: {  	_ =	shalt  }
0x4c: {  	_ =	shalt  }
0x4d: {  	_ =	shalt  }
0x4e: {  	_ =	shalt  }
0x4f: {  	_ =	shalt  }
0x50: {  	_ =	shalt  }
0x51: {  	_ =	shalt  }
0x52: {  	_ =	shalt  }
0x53: {  	_ =	shalt  }
0x54: {  	_ =	shalt  }
0x55: {  	_ =	shalt  }
0x56: {  	_ =	shalt  }
0x57: {  	_ =	shalt  }
0x58: {  	_ =	shalt  }
0x59: {  	_ =	shalt  }
0x5a: {  	_ =	shalt  }
0x5b: {  	_ =	shalt  }
0x5c: {  	_ =	shalt  }
0x5d: {  	_ =	shalt  }
0x5e: {  	_ =	shalt  }
0x5f: {  	_ =	shalt  }
0x60: {  	_ =	shalt  }
0x61: {  	_ =	shalt  }
0x62: {  	_ =	shalt  }
0x63: {  	_ =	shalt  }
0x64: {  	_ =	shalt  }
0x65: {  	_ =	shalt  }
0x66: {  	_ =	shalt  }
0x67: {  	_ =	shalt  }
0x68: {  	_ =	shalt  }
0x69: {  	_ =	shalt  }
0x6a: {  	_ =	shalt  }
0x6b: {  	_ =	shalt  }
0x6c: {  	_ =	shalt  }
0x6d: {  	_ =	shalt  }
0x6e: {  	_ =	shalt  }
0x6f: {  	_ =	shalt  }
0x70: {  	_ =	shalt  }
0x71: {  	_ =	shalt  }
0x72: {  	_ =	shalt  }
0x73: {  	_ =	shalt  }
0x74: {  	_ =	shalt  }
0x75: {  	_ =	shalt  }
0x76: {  	_ =	shalt  }
0x77: {  	_ =	shalt  }
0x78: {  	_ =	shalt  }
0x79: {  	_ =	shalt  }
0x7a: {  	_ =	shalt  }
0x7b: {  	_ =	shalt  }
0x7c: {  	_ =	shalt  }
0x7d: {  	_ =	shalt  }
0x7e: {  	_ =	shalt  }
0x7f: {  	_ =	shalt  }
0x80: {  	_ =	shalt  }
0x81: {  	_ =	shalt  }
0x82: {  	_ =	shalt  }
0x83: {  	_ =	shalt  }
0x84: {  	_ =	shalt  }
0x85: {  	_ =	shalt  }
0x86: {  	_ =	shalt  }
0x87: {  	_ =	shalt  }
.Lfunc_end0:
.L_simem_size_0:
called_computation_lowered:
.L_overlay_start_0:
0x88: {  	s2 =	sld [smem:$0x3FD9]  }
0x89: {  	s3 =	sld [smem:$0x3FFE];
	_ =	sdelay $0x1  }
0x8a: {  	s1 =	srdreg.scid  }
0x8b: {  	s0 =	sand.u32 $0x1, s1  }
0x8c: {  	s14 =	sshll.u32 s0, $0xA;
	s2 =	sadd.s32 s3, s2  }
0x8d: {  	s2 =	sadd.s32 s2, s14  }
0x8e: {  	[smem:$0x3FC5] =	sst s2  }
0x8f: {  	_ = 	snop  }
0x90: {  	s2 =	sld [smem:$0x3FD0];
	_ =	sdelay $0x2  }
0x91: {  	s4 =	simm.s32 $0xA;
	s5 =	simm.s32 $0x10;
	s15 =	sld [smem:$0x3FC9]  }
0x92: {  	[smem:s5], [sflag:s4] =	dma.local [hbm:s2], $0x1  }
0x93: {  	_ =	swait.eq [sflag:s4], $0x1  }
0x94: {  	[sflag:s4] =	ssyncset.done $0x0  }
0x95: {  	s16 =	sld [smem:$0x10];
	[sflag:s4] =	ssyncadd.s32 $0xFFFFFFFF  }
0x96: {  	s17 =	sld [smem:$0x11];
	(tm) =	ssettm $0x1  }
0x97: {  	s18 =	sld [smem:$0x3FFB];
	_ =	sdelay $0x3  }
0x98: {  	_ =	strace s18  }
0x99: {  	s5 =	sld [smem:$0x3FFC];
	_ =	sdelay $0x3  }
0x9a: {  	_ =	strace s5  }
0x9b: {  	s5 =	sld [smem:$0x3FFD];
	_ =	sdelay $0x3  }
0x9c: {  	_ =	strace s5  }
0x9d: {  	_ =	strace $0x8FFFFFFF  }
0x9e: {  	s19 =	sld [smem:$0x3FDB];
	_ =	sdelay $0x1  }
0x9f: {  	s6 =	simm.s32 $_scs_section_size  }
0xa0: {  	s7 =	simm.s32 $_size__tile_overlayer_lowered;
	s8 =	simm.s32 $_tile_overlayer_lowered  }
0xa1: {  	s22 =	simm.s32 $0x1BFF;
	s21 =	sshll.u32 s8, $0x1;
	s5 =	sadd.s32 s6, s19  }
0xa2: {  	s9 =	simm.s32 $0x0;
	s20 =	sshll.u32 s7, $0x1;
	s7 =	sadd.s32 s21, s5  }
0xa3: {  	[timem:s9], [sflag:s22] =	dma.local [hbm:s7], s20  }
0xa4: {  	_ =	swait.ge [sflag:s22], s20  }
0xa5: {  	s6 =	ssub.s32 $0x0, s20;
	[sflag:s22] =	ssyncset.done $0x0  }
0xa6: {  	[sflag:s22] =	ssyncadd.s32 s6;
	_ =	sdelay $0x1  }
0xa7: {  	s23 =	simm.s32 $0x1B8B  }
0xa8: {  	_ =	swait.ge [sflag:s23], $0x1  }
0xa9: {  	[sflag:s23] =	ssyncset.done $0x0  }
0xaa: {  	s25 =	simm.s32 $0x1B8E;
	s24 =	sld [smem:$0x3FFE];
	[sflag:s23] =	ssyncadd.s32 $0xFFFFFFFF  }
0xab: {  	s26 =	simm.s32 $execute0_lowered;
	[smem:$0x3FD2] =	sst s25  }
0xac: {  	s7 =	sshll.u32 s26, $0x1;
	_ =	strace $0x80000046;
	[dreg:$0x1] =	wrdreg $0xFFFFFFFF  }
0xad: {  	s28 =	simm.s32 $_size_execute0_lowered;
	s5 =	sadd.s32 s5, s7;
	[dreg:$0x0] =	wrdreg $0x0  }
0xae: {  	s7 =	sshll.u32 s28, $0x1;
	[dreg:$0x2] =	wrdreg s5  }
0xaf: {  	[dreg:$0x3] =	wrdreg s7  }
0xb0: {  	[dreg:$0x4] =	wrdreg $0xC0  }
0xb1: {  	_ =	task [dreg:s9], $0x5FFFF  }
0xb2: {  	[dreg:$0x1] =	wrdreg $0xFFFFFFFF  }
0xb3: {  	[dreg:$0x0] =	wrdreg $0x60  }
0xb4: {  	[dreg:$0x2] =	wrdreg s15  }
0xb5: {  	[dreg:$0x3] =	wrdreg s16  }
0xb6: {  	[dreg:$0x4] =	wrdreg s17  }
0xb7: {  	[dreg:$0x5] =	wrdreg s24  }
0xb8: {  	[dreg:$0x6] =	wrdreg $0x9  }
0xb9: {  	_ =	task.clear_ibuf [dreg:s9], $0x7FFFF;
	_ =	strace $0x90000046  }
0xba: {  	s29 =	simm.s32 $0x9;
	_ =	strace $0x80000048  }
0xbb: {  	_ =	swait.ge [sflag:s29], $0x1  }
0xbc: {  	[sflag:s29] =	ssyncadd.s32 $0xFFFFFFFF  }
0xbd: {  	_ =	strace $0x90000048  }
0xbe: {  	_ =	sfence  }
0xbf: {  	s30 =	sld [smem:$0x0];
	_ =	sdelay $0x2  }
0xc0: {  	s31 =	sshll.u32 s1, $0xD;
	s1 =	sshrl.u32 s1, $0x2  }
0xc1: {  	s3 =	sand.u32 $0x4000, s31;
	s1 =	sadd.s32 s1, s30  }
0xc2: {  	s0 =	sor.u32 s3, s0;
	s1 =	sshll.u32 s1, $0x11  }
0xc3: {  	s0 =	sor.u32 s1, s0  }
0xc4: {  	s0 =	sadd.s32 $0x8F2B, s0  }
0xc5: {  	[sflag:s0] =	ssyncadd.remote.s32 $0x1  }
0xc6: {  	_ =	sfence.sel $0xFFFF  }
0xc7: {  	[dreg:$0x0] =	wrdreg $0xFFFFFFFF;
	(pc) =	sbr.abs _section_cstart, $3  }
0xc8: {  	[dreg:$0x1] =	wrdreg $0xFFFFFFFF  }
0xc9: {  	_ =	task.clear_ibuf [dreg:s9], $0x2FFFF;
	_ =	strace $0x9FFFFFFF  }
0xca: {  	(tm) =	ssettm $0x7FFFFFFF  }
0xcb: {  	_ =	shalt  }
tec
execute0_lowered:
.L_overlay_start_1:
0x0: {  	(tag) =	ssettag $0x1  }
0x1: {  	s2 =	stileid.u32  }
0x2: {  	s5 =	rddreg [dreg:$0x0];
	p0 =	sgt.u32 s2, $0xB  }
.Ltmp0:
0x3: {  	s1 =	rddreg [dreg:$0x1];
	(pc) =	sbr.rel @p0 .LBB2_13-.Ltmp0, $4  }
0x4: {  	s3 =	rddreg [dreg:$0x2]  }
0x5: {  	s7 =	rddreg [dreg:$0x3];
	s4 =	simm.s32 $0x0  }
0x6: {  	[smem:$0x7FF] =	sst s4  }
0x7: {  	s0 =	rddreg [dreg:$0x4];
	_ =	strace $0x80000047  }
0x8: {  	s6 =	srdreg.scid;
	s8 =	sshll.u32 s2, $0x3  }
0x9: {  	s30 =	sshll.u32 s2, $0x6;
	s11 =	simm.s32 $0x800;
	s6 =	sand.u32 $0x1, s6  }
0xa: {  	s12 =	simm.s32 $0x10;
	s13 =	simm.s32 $0x80;
	s9 =	sshll.u32 s6, $0x2  }
0xb: {  	s14 =	simm.s32 $0x300;
	s15 =	simm.s32 $0x10C00;
	s8 =	sor.u32 s9, s8  }
0xc: {  	s16 =	simm.s32 $0x14C20;
	s10 =	ssub.s32 $0x2, s6;
	s9 =	sor.u32 s30, s8  }
0xd: {  	s31 =	sshrl.u32 s10, $0x1;
	s7 =	sadd.s32 s7, s8;
	s9 =	sand.u32 $0x38C, s9  }
0xe: {  	s8 =	sadd.s32 $0x2, s7;
	s5 =	sadd.s32 s5, s9;
	s9 =	ssub.s32 s10, s31  }
0xf: {  	s10 =	simm.s32 $0x1;
	s6 =	sadd.s32 $0x2, s5;
	s9 =	smax.u32 s9, $0x1  }
.LBB2_2:
0x10: {  	s17 =	simm.s32 $0x0  }
0x11: {  	[tilespmem:s17], [sflag:$0x1] =	stream.linear.gather [hbm4b:s1+s17], $0x800, $0x38;
	[tilespmem:$0x18C40] =	vst v63  }
0x12: {  	_ =	swait.ge [sflag:s10], $0x800  }
0x13: {  	[sflag:s10] =	ssyncset.done $0x0  }
0x14: {  	[sflag:s10] =	ssyncadd.s32 $0xFFFFF800  }
0x15: {  	[tilespmem:s11], [sflag:$0x1] =	stream.linear.gather [hbm4b:s3+s17], $0x400, $0x38;
	[tilespmem:$0x18C40] =	vst v63  }
0x16: {  	_ =	swait.ge [sflag:s10], $0x400  }
0x17: {  	s31 =	simm.s32 $0xC00;
	[sflag:s10] =	ssyncset.done $0x0  }
0x18: {  	s18 =	smov.u32 s5;
	s17 =	simm.s32 $0x200;
	[sflag:s10] =	ssyncadd.s32 $0xFFFFFC00  }
0x19: {  	[tilespmem:s31], [sflag:$0x1] =	stream.strided.gather [hbm4b:s5+s12], $0x80, s13, s12, $0x38;
	[tilespmem:$0x18C40] =	vst v63  }
.LBB2_3:
0x1a: {  	p0 =	sne.s32 s17, $0x1FE00  }
.Ltmp1:
0x1b: {  	_ = 	snop;
	(pc) =	sbr.rel @p0 .LBB2_3-.Ltmp1, $4  }
0x1c: {  	_ = 	snop  }
0x1d: {  	s19 =	sshra.s32 s17, $0x2;
	s17 =	sadd.s32 $0x200, s17  }
0x1e: {  	s18 =	sadd.s32 $0x300, s18;
	s19 =	sadd.s32 $0xC00, s19  }
0x1f: {  	[tilespmem:s19], [sflag:$0x1] =	stream.strided.gather [hbm4b:s18+s12], $0x80, s13, s12, $0x38;
	[tilespmem:$0x18C40] =	vst v63  }
0x20: {  	_ =	swait.ge [sflag:s10], $0x8000  }
0x21: {  	[sflag:s10] =	ssyncset.done $0x0  }
0x22: {  	s17 =	simm.s32 $0x8C00;
	[sflag:s10] =	ssyncadd.s32 $0xFFFF8000  }
0x23: {  	[tilespmem:s17], [sflag:$0x1] =	stream.strided.gather [hbm4b:s6+s12], $0x80, s13, s12, $0x38;
	[tilespmem:$0x18C40] =	vst v63  }
0x24: {  	s18 =	smov.u32 s6;
	s17 =	simm.s32 $0x200  }
.LBB2_5:
0x25: {  	p0 =	sne.s32 s17, $0x1FE00  }
.Ltmp2:
0x26: {  	_ = 	snop;
	(pc) =	sbr.rel @p0 .LBB2_5-.Ltmp2, $4  }
0x27: {  	_ = 	snop  }
0x28: {  	s19 =	sshra.s32 s17, $0x2;
	s17 =	sadd.s32 $0x200, s17  }
0x29: {  	s18 =	sadd.s32 $0x300, s18;
	s19 =	sadd.s32 $0x8C00, s19  }
0x2a: {  	[tilespmem:s19], [sflag:$0x1] =	stream.strided.gather [hbm4b:s18+s12], $0x80, s13, s12, $0x38;
	[tilespmem:$0x18C40] =	vst v63  }
0x2b: {  	_ =	swait.ge [sflag:s10], $0x8000  }
0x2c: {  	[sflag:s10] =	ssyncset.done $0x0  }
0x2d: {  	[sflag:s10] =	ssyncadd.s32 $0xFFFF8000  }
0x2e: {  	v0 =	vld [tilespmem:$0xC00]  }
0x2f: {  	v1 =	vld [tilespmem:$0x8C00];
	_ =	sdelay $0x3  }
0x30: {  	[tilespmem:$0x10C00] =	vst v0  }
0x31: {  	s17 =	simm.s32 $0xC90;
	[tilespmem:$0x14C20] =	vst v1  }
0x32: {  	v0 =	vld [tilespmem:s17+$0xFFFFFF80];
	_ =	sdelay $0x3  }
0x33: {  	s18 =	simm.s32 $0x0  }
0x34: {  	s19 =	simm.s32 $0x8C90;
	[tilespmem:s18+$0x10C10] =	vst v0  }
0x35: {  	v0 =	vld [tilespmem:s19+$0xFFFFFF80];
	_ =	sdelay $0x4  }
0x36: {  	[tilespmem:s18+$0x14C30] =	vst v0  }
0x37: {  	v0 =	vld [tilespmem:s17+$0xFFFFFFA0];
	_ =	sdelay $0x4  }
0x38: {  	[tilespmem:s18+$0x10C20] =	vst v0  }
0x39: {  	v0 =	vld [tilespmem:s19+$0xFFFFFFA0];
	_ =	sdelay $0x4  }
0x3a: {  	[tilespmem:s18+$0x14C40] =	vst v0  }
0x3b: {  	v0 =	vld [tilespmem:s17+$0xFFFFFFC0];
	_ =	sdelay $0x4  }
0x3c: {  	[tilespmem:s18+$0x10C30] =	vst v0  }
0x3d: {  	v0 =	vld [tilespmem:s19+$0xFFFFFFC0];
	_ =	sdelay $0x4  }
0x3e: {  	[tilespmem:s18+$0x14C50] =	vst v0  }
0x3f: {  	v0 =	vld [tilespmem:s17+$0xFFFFFFE0];
	_ =	sdelay $0x4  }
0x40: {  	[tilespmem:s18+$0x10C40] =	vst v0  }
0x41: {  	v0 =	vld [tilespmem:s19+$0xFFFFFFE0];
	_ =	sdelay $0x4  }
0x42: {  	[tilespmem:s18+$0x14C60] =	vst v0  }
0x43: {  	v0 =	vld [tilespmem:s17+$0x0];
	_ =	sdelay $0x4  }
0x44: {  	[tilespmem:s18+$0x10C50] =	vst v0  }
0x45: {  	v0 =	vld [tilespmem:s19+$0x0];
	_ =	sdelay $0x4  }
0x46: {  	[tilespmem:s18+$0x14C70] =	vst v0  }
0x47: {  	v0 =	vld [tilespmem:s17+$0x20];
	_ =	sdelay $0x4  }
0x48: {  	[tilespmem:s18+$0x10C60] =	vst v0  }
0x49: {  	v0 =	vld [tilespmem:s19+$0x20];
	_ =	sdelay $0x4  }
0x4a: {  	[tilespmem:s18+$0x14C80] =	vst v0  }
0x4b: {  	v0 =	vld [tilespmem:s17+$0x40];
	_ =	sdelay $0x4  }
0x4c: {  	[tilespmem:s18+$0x10C70] =	vst v0  }
0x4d: {  	v0 =	vld [tilespmem:s19+$0x40];
	_ =	sdelay $0x4  }
0x4e: {  	[tilespmem:s18+$0x14C90] =	vst v0  }
0x4f: {  	v0 =	vld [tilespmem:s17+$0x60];
	_ =	sdelay $0x4  }
0x50: {  	[tilespmem:s18+$0x10C80] =	vst v0  }
0x51: {  	v0 =	vld [tilespmem:s19+$0x60];
	_ =	sdelay $0x4  }
0x52: {  	s20 =	simm.s32 $0xD90;
	[tilespmem:s18+$0x14CA0] =	vst v0  }
0x53: {  	s21 =	simm.s32 $0x200;
	s22 =	simm.s32 $0x400;
	s17 =	simm.s32 $0x0;
	v0 =	vld [tilespmem:s20+$0xFFFFFF80]  }
.LBB2_7:
0x54: {  	p0 =	sne.s32 s22, $0xFE00;
	_ =	sdelay $0x2  }
0x55: {  	s23 =	sshra.s32 s21, $0x2;
	s21 =	smov.u32 s22  }
0x56: {  	s19 =	sadd.s32 $0x100, s19;
	[tilespmem:s23+$0x10C10] =	vst v0  }
0x57: {  	v0 =	vld [tilespmem:s19+$0xFFFFFF80];
	_ =	sdelay $0x4  }
0x58: {  	[tilespmem:s23+$0x14C30] =	vst v0  }
0x59: {  	v0 =	vld [tilespmem:s20+$0xFFFFFFA0];
	_ =	sdelay $0x4  }
0x5a: {  	[tilespmem:s23+$0x10C20] =	vst v0  }
0x5b: {  	v0 =	vld [tilespmem:s19+$0xFFFFFFA0];
	_ =	sdelay $0x4  }
0x5c: {  	[tilespmem:s23+$0x14C40] =	vst v0  }
0x5d: {  	v0 =	vld [tilespmem:s20+$0xFFFFFFC0];
	_ =	sdelay $0x4  }
0x5e: {  	[tilespmem:s23+$0x10C30] =	vst v0  }
0x5f: {  	v0 =	vld [tilespmem:s19+$0xFFFFFFC0];
	_ =	sdelay $0x4  }
0x60: {  	[tilespmem:s23+$0x14C50] =	vst v0  }
0x61: {  	v0 =	vld [tilespmem:s20+$0xFFFFFFE0];
	_ =	sdelay $0x4  }
0x62: {  	[tilespmem:s23+$0x10C40] =	vst v0  }
0x63: {  	v0 =	vld [tilespmem:s19+$0xFFFFFFE0];
	_ =	sdelay $0x4  }
0x64: {  	[tilespmem:s23+$0x14C60] =	vst v0  }
0x65: {  	v0 =	vld [tilespmem:s20+$0x0];
	_ =	sdelay $0x4  }
0x66: {  	[tilespmem:s23+$0x10C50] =	vst v0  }
0x67: {  	v0 =	vld [tilespmem:s19+$0x0];
	_ =	sdelay $0x4  }
0x68: {  	[tilespmem:s23+$0x14C70] =	vst v0  }
0x69: {  	v0 =	vld [tilespmem:s20+$0x20];
	_ =	sdelay $0x4  }
0x6a: {  	[tilespmem:s23+$0x10C60] =	vst v0  }
0x6b: {  	v0 =	vld [tilespmem:s19+$0x20];
	_ =	sdelay $0x4  }
0x6c: {  	[tilespmem:s23+$0x14C80] =	vst v0  }
0x6d: {  	v0 =	vld [tilespmem:s20+$0x40];
	_ =	sdelay $0x4  }
0x6e: {  	[tilespmem:s23+$0x10C70] =	vst v0  }
0x6f: {  	v0 =	vld [tilespmem:s19+$0x40];
	_ =	sdelay $0x4  }
0x70: {  	[tilespmem:s23+$0x14C90] =	vst v0  }
0x71: {  	v0 =	vld [tilespmem:s20+$0x60];
	_ =	sdelay $0x4  }
0x72: {  	[tilespmem:s23+$0x10C80] =	vst v0  }
0x73: {  	v0 =	vld [tilespmem:s19+$0x60];
	_ =	sdelay $0x1  }
.Ltmp3:
0x74: {  	(pc) =	sbr.rel @p0 .LBB2_7-.Ltmp3, $3  }
0x75: {  	_ =	sdelay $0x1  }
0x76: {  	s20 =	sadd.s32 $0x100, s20;
	[tilespmem:s23+$0x14CA0] =	vst v0  }
0x77: {  	s22 =	sadd.s32 $0x200, s22;
	v0 =	vld [tilespmem:s20+$0xFFFFFF80]  }
0x78: {  	_ =	sdelay $0x2  }
0x79: {  	s21 =	sshra.s32 s21, $0x2  }
0x7a: {  	s19 =	sadd.s32 $0x100, s19;
	[tilespmem:s21+$0x10C10] =	vst v0  }
0x7b: {  	v0 =	vld [tilespmem:s19+$0xFFFFFF80];
	_ =	sdelay $0x4  }
0x7c: {  	[tilespmem:s21+$0x14C30] =	vst v0  }
0x7d: {  	v0 =	vld [tilespmem:s20+$0xFFFFFFA0];
	_ =	sdelay $0x4  }
0x7e: {  	[tilespmem:s21+$0x10C20] =	vst v0  }
0x7f: {  	v0 =	vld [tilespmem:s19+$0xFFFFFFA0];
	_ =	sdelay $0x4  }
0x80: {  	[tilespmem:s21+$0x14C40] =	vst v0  }
0x81: {  	v0 =	vld [tilespmem:s20+$0xFFFFFFC0];
	_ =	sdelay $0x4  }
0x82: {  	[tilespmem:s21+$0x10C30] =	vst v0  }
0x83: {  	v0 =	vld [tilespmem:s19+$0xFFFFFFC0];
	_ =	sdelay $0x4  }
0x84: {  	[tilespmem:s21+$0x14C50] =	vst v0  }
0x85: {  	v0 =	vld [tilespmem:s20+$0xFFFFFFE0];
	_ =	sdelay $0x4  }
0x86: {  	[tilespmem:s21+$0x10C40] =	vst v0  }
0x87: {  	v0 =	vld [tilespmem:s19+$0xFFFFFFE0];
	_ =	sdelay $0x4  }
0x88: {  	[tilespmem:s21+$0x14C60] =	vst v0  }
0x89: {  	v0 =	vld [tilespmem:s20+$0x0];
	_ =	sdelay $0x4  }
0x8a: {  	[tilespmem:s21+$0x10C50] =	vst v0  }
0x8b: {  	v0 =	vld [tilespmem:s19+$0x0];
	_ =	sdelay $0x4  }
0x8c: {  	[tilespmem:s21+$0x14C70] =	vst v0  }
0x8d: {  	v0 =	vld [tilespmem:s20+$0x20];
	_ =	sdelay $0x4  }
0x8e: {  	[tilespmem:s21+$0x10C60] =	vst v0  }
0x8f: {  	v0 =	vld [tilespmem:s19+$0x20];
	_ =	sdelay $0x4  }
0x90: {  	[tilespmem:s21+$0x14C80] =	vst v0  }
0x91: {  	v0 =	vld [tilespmem:s20+$0x40];
	_ =	sdelay $0x4  }
0x92: {  	[tilespmem:s21+$0x10C70] =	vst v0  }
0x93: {  	v0 =	vld [tilespmem:s19+$0x40];
	_ =	sdelay $0x4  }
0x94: {  	[tilespmem:s21+$0x14C90] =	vst v0  }
0x95: {  	v0 =	vld [tilespmem:s20+$0x60];
	_ =	sdelay $0x4  }
0x96: {  	[tilespmem:s21+$0x10C80] =	vst v0  }
0x97: {  	v0 =	vld [tilespmem:s19+$0x60];
	_ =	sdelay $0x4  }
0x98: {  	[tilespmem:s21+$0x14CA0] =	vst v0  }
0x99: {  	v0 =	vld [tilespmem:s17+$0x0];
	_ =	sdelay $0x4  }
0x9a: {  	v0 =	vshll.u32 v0, $0x4  }
0x9b: {  	(v2sf) =	vpush v0, $0x0;
	_ =	sdelay $0xe  }
0x9c: {  	v1 =	vld [tilespmem:s18+$0xC00];
	s24 =	spop (v2sf)  }
0x9d: {  	(v2sf) =	vpush v0, $0x2;
	v2 =	vld [tilespmem:s24+$0x10C00];
	_ =	sdelay $0x4  }
0x9e: {  	v1 =	vadd.f32 v1, v2;
	_ =	sdelay $0x1  }
0x9f: {  	[tilespmem:s24+$0x10C00] =	vst v1;
	v1 =	vld [tilespmem:s24+$0x14C20]  }
0xa0: {  	v2 =	vld [tilespmem:s18+$0x8C00];
	_ =	sdelay $0x4  }
0xa1: {  	v1 =	vadd.f32 v2, v1;
	_ =	sdelay $0x1  }
0xa2: {  	s25 =	spop (v2sf);
	[tilespmem:s24+$0x14C20] =	vst v1  }
0xa3: {  	v1 =	vld [tilespmem:s25+$0x10C00]  }
0xa4: {  	(v2sf) =	vpush v0, $0x4;
	v2 =	vld [tilespmem:s18+$0xC20];
	_ =	sdelay $0x4  }
0xa5: {  	v1 =	vadd.f32 v2, v1;
	_ =	sdelay $0x1  }
0xa6: {  	[tilespmem:s25+$0x10C00] =	vst v1;
	v1 =	vld [tilespmem:s25+$0x14C20]  }
0xa7: {  	v2 =	vld [tilespmem:s18+$0x8C20];
	_ =	sdelay $0x4  }
0xa8: {  	v1 =	vadd.f32 v2, v1;
	_ =	sdelay $0x1  }
0xa9: {  	s26 =	spop (v2sf);
	[tilespmem:s25+$0x14C20] =	vst v1  }
0xaa: {  	v1 =	vld [tilespmem:s26+$0x10C00]  }
0xab: {  	(v2sf) =	vpush v0, $0x6;
	v2 =	vld [tilespmem:s18+$0xC40];
	_ =	sdelay $0x4  }
0xac: {  	v1 =	vadd.f32 v2, v1;
	_ =	sdelay $0x1  }
0xad: {  	v2 =	vld [tilespmem:s26+$0x14C20];
	[tilespmem:s26+$0x10C00] =	vst v1  }
0xae: {  	v1 =	vld [tilespmem:s18+$0x8C40];
	_ =	sdelay $0x4  }
0xaf: {  	v1 =	vadd.f32 v1, v2;
	_ =	sdelay $0x1  }
0xb0: {  	s28 =	spop (v2sf);
	[tilespmem:s26+$0x14C20] =	vst v1  }
0xb1: {  	v1 =	vld [tilespmem:s28+$0x10C00]  }
0xb2: {  	(v2sf) =	vpush v0, $0x8;
	v2 =	vld [tilespmem:s18+$0xC60];
	_ =	sdelay $0x4  }
0xb3: {  	v1 =	vadd.f32 v2, v1;
	_ =	sdelay $0x1  }
0xb4: {  	v2 =	vld [tilespmem:s28+$0x14C20];
	[tilespmem:s28+$0x10C00] =	vst v1  }
0xb5: {  	v1 =	vld [tilespmem:s18+$0x8C60];
	_ =	sdelay $0x4  }
0xb6: {  	v1 =	vadd.f32 v1, v2;
	_ =	sdelay $0x1  }
0xb7: {  	s29 =	spop (v2sf);
	[tilespmem:s28+$0x14C20] =	vst v1  }
0xb8: {  	v1 =	vld [tilespmem:s29+$0x10C00]  }
0xb9: {  	(v2sf) =	vpush v0, $0xA;
	v2 =	vld [tilespmem:s18+$0xC80];
	_ =	sdelay $0x4  }
0xba: {  	v1 =	vadd.f32 v2, v1;
	_ =	sdelay $0x1  }
0xbb: {  	v2 =	vld [tilespmem:s29+$0x14C20];
	[tilespmem:s29+$0x10C00] =	vst v1  }
0xbc: {  	v1 =	vld [tilespmem:s18+$0x8C80];
	_ =	sdelay $0x4  }
0xbd: {  	v1 =	vadd.f32 v1, v2;
	_ =	sdelay $0x1  }
0xbe: {  	s30 =	spop (v2sf);
	[tilespmem:s29+$0x14C20] =	vst v1  }
0xbf: {  	v1 =	vld [tilespmem:s30+$0x10C00]  }
0xc0: {  	(v2sf) =	vpush v0, $0xC;
	v2 =	vld [tilespmem:s18+$0xCA0];
	_ =	sdelay $0x4  }
0xc1: {  	v1 =	vadd.f32 v2, v1;
	_ =	sdelay $0x1  }
0xc2: {  	v2 =	vld [tilespmem:s30+$0x14C20];
	[tilespmem:s30+$0x10C00] =	vst v1  }
0xc3: {  	v1 =	vld [tilespmem:s18+$0x8CA0];
	_ =	sdelay $0x4  }
0xc4: {  	v1 =	vadd.f32 v1, v2;
	_ =	sdelay $0x1  }
0xc5: {  	s31 =	spop (v2sf);
	[tilespmem:s30+$0x14C20] =	vst v1  }
0xc6: {  	v1 =	vld [tilespmem:s31+$0x10C00]  }
0xc7: {  	(v2sf) =	vpush v0, $0xE;
	v2 =	vld [tilespmem:s18+$0xCC0];
	_ =	sdelay $0x4  }
0xc8: {  	v0 =	vadd.f32 v2, v1;
	_ =	sdelay $0x1  }
0xc9: {  	v1 =	vld [tilespmem:s31+$0x14C20];
	[tilespmem:s31+$0x10C00] =	vst v0  }
0xca: {  	v0 =	vld [tilespmem:s18+$0x8CC0];
	_ =	sdelay $0x4  }
0xcb: {  	v0 =	vadd.f32 v0, v1;
	_ =	sdelay $0x1  }
0xcc: {  	s20 =	spop (v2sf);
	[tilespmem:s31+$0x14C20] =	vst v0  }
0xcd: {  	v0 =	vld [tilespmem:s20+$0x10C00]  }
0xce: {  	v1 =	vld [tilespmem:s18+$0xCE0];
	_ =	sdelay $0x4  }
0xcf: {  	v1 =	vadd.f32 v1, v0;
	_ =	sdelay $0x1  }
0xd0: {  	s19 =	simm.s32 $0x400;
	v0 =	vld [tilespmem:s20+$0x14C20];
	[tilespmem:s20+$0x10C00] =	vst v1  }
.LBB2_9:
0xd1: {  	p0 =	sne.s32 s19, $0x1FC00  }
0xd2: {  	v1 =	vld [tilespmem:s18+$0x8CE0];
	s17 =	sadd.s32 $0x10, s17;
	s18 =	smov.u32 s19;
	s19 =	sadd.s32 $0x400, s19  }
0xd3: {  	_ =	sdelay $0x3  }
0xd4: {  	v0 =	vadd.f32 v1, v0;
	_ =	sdelay $0x1  }
0xd5: {  	[tilespmem:s20+$0x14C20] =	vst v0  }
0xd6: {  	v0 =	vld [tilespmem:s17+$0x0];
	_ =	sdelay $0x4  }
0xd7: {  	v0 =	vshll.u32 v0, $0x4  }
0xd8: {  	(v2sf) =	vpush v0, $0x0;
	_ =	sdelay $0xd  }
0xd9: {  	s18 =	sshra.s32 s18, $0x2  }
0xda: {  	v1 =	vld [tilespmem:s18+$0xC00];
	s20 =	spop (v2sf)  }
0xdb: {  	v2 =	vld [tilespmem:s20+$0x10C00];
	(v2sf) =	vpush v0, $0x2;
	_ =	sdelay $0x4  }
0xdc: {  	v1 =	vadd.f32 v1, v2;
	_ =	sdelay $0x1  }
0xdd: {  	[tilespmem:s20+$0x10C00] =	vst v1;
	v1 =	vld [tilespmem:s20+$0x14C20]  }
0xde: {  	v2 =	vld [tilespmem:s18+$0x8C00];
	_ =	sdelay $0x4  }
0xdf: {  	v1 =	vadd.f32 v2, v1;
	_ =	sdelay $0x1  }
0xe0: {  	[tilespmem:s20+$0x14C20] =	vst v1;
	s20 =	spop (v2sf)  }
0xe1: {  	v1 =	vld [tilespmem:s20+$0x10C00]  }
0xe2: {  	v2 =	vld [tilespmem:s18+$0xC20];
	(v2sf) =	vpush v0, $0x4;
	_ =	sdelay $0x4  }
0xe3: {  	v1 =	vadd.f32 v2, v1;
	_ =	sdelay $0x1  }
0xe4: {  	[tilespmem:s20+$0x10C00] =	vst v1;
	v1 =	vld [tilespmem:s20+$0x14C20]  }
0xe5: {  	v2 =	vld [tilespmem:s18+$0x8C20];
	_ =	sdelay $0x4  }
0xe6: {  	v1 =	vadd.f32 v2, v1;
	_ =	sdelay $0x1  }
0xe7: {  	[tilespmem:s20+$0x14C20] =	vst v1;
	s20 =	spop (v2sf)  }
0xe8: {  	v1 =	vld [tilespmem:s20+$0x10C00]  }
0xe9: {  	v2 =	vld [tilespmem:s18+$0xC40];
	(v2sf) =	vpush v0, $0x6;
	_ =	sdelay $0x4  }
0xea: {  	v1 =	vadd.f32 v2, v1  }
0xeb: {  	v2 =	vld [tilespmem:s20+$0x14C20]  }
0xec: {  	[tilespmem:s20+$0x10C00] =	vst v1  }
0xed: {  	v1 =	vld [tilespmem:s18+$0x8C40];
	_ =	sdelay $0x4  }
0xee: {  	v1 =	vadd.f32 v1, v2;
	_ =	sdelay $0x1  }
0xef: {  	[tilespmem:s20+$0x14C20] =	vst v1;
	s20 =	spop (v2sf)  }
0xf0: {  	v1 =	vld [tilespmem:s20+$0x10C00]  }
0xf1: {  	v2 =	vld [tilespmem:s18+$0xC60];
	(v2sf) =	vpush v0, $0x8;
	_ =	sdelay $0x4  }
0xf2: {  	v1 =	vadd.f32 v2, v1;
	v2 =	vld [tilespmem:s20+$0x14C20];
	_ =	sdelay $0x1  }
0xf3: {  	[tilespmem:s20+$0x10C00] =	vst v1  }
0xf4: {  	v1 =	vld [tilespmem:s18+$0x8C60];
	_ =	sdelay $0x4  }
0xf5: {  	v1 =	vadd.f32 v1, v2;
	_ =	sdelay $0x1  }
0xf6: {  	[tilespmem:s20+$0x14C20] =	vst v1;
	s20 =	spop (v2sf)  }
0xf7: {  	v1 =	vld [tilespmem:s20+$0x10C00]  }
0xf8: {  	v2 =	vld [tilespmem:s18+$0xC80];
	(v2sf) =	vpush v0, $0xA;
	_ =	sdelay $0x3  }
0xf9: {  	v3 =	vld [tilespmem:s20+$0x14C20]  }
0xfa: {  	v1 =	vadd.f32 v2, v1;
	_ =	sdelay $0x1  }
0xfb: {  	[tilespmem:s20+$0x10C00] =	vst v1  }
0xfc: {  	v1 =	vld [tilespmem:s18+$0x8C80];
	_ =	sdelay $0x4  }
0xfd: {  	v1 =	vadd.f32 v1, v3;
	_ =	sdelay $0x1  }
0xfe: {  	[tilespmem:s20+$0x14C20] =	vst v1;
	s20 =	spop (v2sf)  }
0xff: {  	v1 =	vld [tilespmem:s20+$0x10C00]  }
0x100: {  	v2 =	vld [tilespmem:s18+$0xCA0];
	(v2sf) =	vpush v0, $0xC  }
0x101: {  	v3 =	vld [tilespmem:s20+$0x14C20];
	_ =	sdelay $0x3  }
0x102: {  	v1 =	vadd.f32 v2, v1;
	_ =	sdelay $0x1  }
0x103: {  	[tilespmem:s20+$0x10C00] =	vst v1  }
0x104: {  	v1 =	vld [tilespmem:s18+$0x8CA0];
	_ =	sdelay $0x4  }
0x105: {  	v1 =	vadd.f32 v1, v3;
	_ =	sdelay $0x1  }
0x106: {  	[tilespmem:s20+$0x14C20] =	vst v1;
	s20 =	spop (v2sf)  }
0x107: {  	v1 =	vld [tilespmem:s20+$0x10C00]  }
0x108: {  	v2 =	vld [tilespmem:s18+$0xCC0];
	(v2sf) =	vpush v0, $0xE  }
0x109: {  	v0 =	vld [tilespmem:s20+$0x14C20];
	_ =	sdelay $0x3  }
0x10a: {  	v1 =	vadd.f32 v2, v1;
	_ =	sdelay $0x1  }
0x10b: {  	[tilespmem:s20+$0x10C00] =	vst v1  }
0x10c: {  	v1 =	vld [tilespmem:s18+$0x8CC0];
	_ =	sdelay $0x4  }
0x10d: {  	v0 =	vadd.f32 v1, v0;
	_ =	sdelay $0x1  }
0x10e: {  	[tilespmem:s20+$0x14C20] =	vst v0;
	s20 =	spop (v2sf)  }
0x10f: {  	v1 =	vld [tilespmem:s20+$0x10C00]  }
0x110: {  	v2 =	vld [tilespmem:s18+$0xCE0]  }
0x111: {  	v0 =	vld [tilespmem:s20+$0x14C20];
	_ =	sdelay $0x1  }
.Ltmp4:
0x112: {  	(pc) =	sbr.rel @p0 .LBB2_9-.Ltmp4, $3  }
0x113: {  	_ = 	snop  }
0x114: {  	v1 =	vadd.f32 v2, v1;
	_ =	sdelay $0x1  }
0x115: {  	[tilespmem:s20+$0x10C00] =	vst v1  }
0x116: {  	v1 =	vld [tilespmem:s18+$0x8CE0];
	_ =	sdelay $0x4  }
0x117: {  	v0 =	vadd.f32 v1, v0;
	_ =	sdelay $0x1  }
0x118: {  	s17 =	simm.s32 $0x0;
	[tilespmem:s20+$0x14C20] =	vst v0  }
0x119: {  	v9 =	vld [tilespmem:s17+$0x14CF0]  }
0x11a: {  	v8 =	vld [tilespmem:s17+$0x10CF0]  }
0x11b: {  	v7 =	vld [tilespmem:s17+$0x14D20]  }
0x11c: {  	v1 =	vld [tilespmem:s17+$0x10C70]  }
0x11d: {  	v2 =	vld [tilespmem:s17+$0x10C80]  }
0x11e: {  	v5 =	vld [tilespmem:s17+$0x10CD0]  }
0x11f: {  	v4 =	vld [tilespmem:s17+$0x14C90]  }
0x120: {  	s18 =	simm.s32 $0x800;
	v3 =	vld [tilespmem:s17+$0x14CA0]  }
0x121: {  	v0 =	vld [tilespmem:s18+$0x0]  }
0x122: {  	s19 =	simm.s32 $0x400;
	v6 =	vld [tilespmem:s17+$0x14D10]  }
.LBB2_11:
0x123: {  	p0 =	sne.s32 s19, $0xFC00  }
0x124: {  	v10 =	vld [tilespmem:s17+$0x10CC0];
	s18 =	sadd.s32 $0x10, s18;
	s20 =	smov.u32 s19;
	s19 =	sadd.s32 $0x400, s19  }
0x125: {  	v11 =	vld [tilespmem:s17+$0x10CE0]  }
0x126: {  	v12 =	vld [tilespmem:s17+$0x14CE0]  }
0x127: {  	v13 =	vld [tilespmem:s17+$0x10C40];
	v14 =	vbroadcast v0, $0xC;
	v15 =	vbroadcast v0, $0xE  }
0x128: {  	v17 =	vbroadcast v0, $0xD;
	v18 =	vbroadcast v0, $0xF;
	v16 =	vld [tilespmem:s17+$0x10CB0]  }
0x129: {  	v19 =	vld [tilespmem:s17+$0x14CC0];
	v9 =	vmul.f32 v9, v14;
	v8 =	vmul.f32 v8, v15  }
0x12a: {  	v21 =	vbroadcast v0, $0xA;
	v7 =	vmul.f32 v7, v18;
	v20 =	vld [tilespmem:s17+$0x10CA0]  }
0x12b: {  	v22 =	vbroadcast v0, $0x6;
	v23 =	vbroadcast v0, $0x7;
	v24 =	vld [tilespmem:s17+$0x14CD0];
	[tilespmem:s17+$0x14CF0] =	vst v9  }
0x12c: {  	v25 =	vbroadcast v0, $0x9;
	v5 =	vmul.f32 v5, v14;
	v9 =	vld [tilespmem:s17+$0x10C20];
	[tilespmem:s17+$0x10CF0] =	vst v8  }
0x12d: {  	v8 =	vld [tilespmem:s17+$0x10C90];
	v14 =	vmul.f32 v16, v21;
	v16 =	vbroadcast v0, $0xB;
	[tilespmem:s17+$0x14D20] =	vst v7  }
0x12e: {  	v7 =	vld [tilespmem:s17+$0x14CB0];
	v19 =	vmul.f32 v19, v25;
	[tilespmem:s17+$0x10CD0] =	vst v5;
	v5 =	vmul.f32 v6, v15  }
0x12f: {  	v6 =	vbroadcast v0, $0x1;
	v15 =	vld [tilespmem:s17+$0x10C60];
	v20 =	vmul.f32 v20, v25;
	[tilespmem:s17+$0x10CB0] =	vst v14  }
0x130: {  	v25 =	vbroadcast v0, $0x8;
	v14 =	vld [tilespmem:s17+$0x14C40];
	v21 =	vmul.f32 v24, v21;
	[tilespmem:s17+$0x14D10] =	vst v5  }
0x131: {  	v5 =	vmul.f32 v9, v6;
	[tilespmem:s17+$0x10CA0] =	vst v20;
	v9 =	vmul.f32 v10, v16;
	v10 =	vld [tilespmem:s17+$0x14D00]  }
0x132: {  	v20 =	vbroadcast v0, $0x5;
	v24 =	vld [tilespmem:s17+$0x14C80];
	v8 =	vmul.f32 v8, v25;
	[tilespmem:s17+$0x14CD0] =	vst v21  }
0x133: {  	v12 =	vmul.f32 v12, v16;
	[tilespmem:s17+$0x10C20] =	vst v5;
	v5 =	vld [tilespmem:s17+$0x10C50];
	v7 =	vmul.f32 v7, v25  }
0x134: {  	v1 =	vmul.f32 v1, v22;
	v16 =	vld [tilespmem:s17+$0x14C70];
	v15 =	vmul.f32 v15, v20;
	[tilespmem:s17+$0x10CC0] =	vst v9  }
0x135: {  	v3 =	vmul.f32 v3, v23;
	v6 =	vmul.f32 v14, v6;
	[tilespmem:s17+$0x14CB0] =	vst v7;
	v7 =	vld [tilespmem:s17+$0x10D00]  }
0x136: {  	v4 =	vmul.f32 v4, v22;
	v14 =	vbroadcast v0, $0x4;
	v9 =	vld [tilespmem:s17+$0x14C60];
	[tilespmem:s17+$0x10C60] =	vst v15  }
0x137: {  	v11 =	vmul.f32 v11, v17;
	[tilespmem:s17+$0x14C40] =	vst v6;
	v6 =	vld [tilespmem:s17+$0x14C50];
	v15 =	vmul.f32 v24, v20  }
0x138: {  	v2 =	vmul.f32 v2, v23;
	v20 =	vld [tilespmem:s17+$0x14C30];
	v5 =	vmul.f32 v5, v14;
	[tilespmem:s17+$0x14C90] =	vst v4  }
0x139: {  	v21 =	vbroadcast v0, $0x3;
	v4 =	vld [tilespmem:s17+$0x10C10];
	v14 =	vmul.f32 v16, v14;
	[tilespmem:s17+$0x10CE0] =	vst v11  }
0x13a: {  	v10 =	vmul.f32 v10, v17;
	v11 =	vld [tilespmem:s17+$0x10C30];
	[tilespmem:s17+$0x14C80] =	vst v15;
	v7 =	vmul.f32 v7, v18  }
0x13b: {  	v13 =	vmul.f32 v13, v21;
	v9 =	vmul.f32 v9, v21;
	[tilespmem:s17+$0x14CE0] =	vst v12  }
0x13c: {  	v12 =	vbroadcast v0, $0x0;
	v0 =	vbroadcast v0, $0x2;
	[tilespmem:s17+$0x10C80] =	vst v2  }
0x13d: {  	[tilespmem:s17+$0x14C70] =	vst v14  }
0x13e: {  	v2 =	vmul.f32 v20, v12;
	v4 =	vmul.f32 v12, v4;
	[tilespmem:s17+$0x14CC0] =	vst v19  }
0x13f: {  	v11 =	vmul.f32 v11, v0;
	v0 =	vmul.f32 v6, v0;
	[tilespmem:s17+$0x14D00] =	vst v10  }
0x140: {  	[tilespmem:s17+$0x10C40] =	vst v13  }
0x141: {  	[tilespmem:s17+$0x14C60] =	vst v9  }
0x142: {  	s20 =	sshra.s32 s20, $0x2;
	[tilespmem:s17+$0x10D00] =	vst v7  }
0x143: {  	v9 =	vld [tilespmem:s20+$0x14CF0];
	[tilespmem:s17+$0x10C90] =	vst v8  }
0x144: {  	v8 =	vld [tilespmem:s20+$0x10CF0];
	[tilespmem:s17+$0x10C50] =	vst v5  }
0x145: {  	v7 =	vld [tilespmem:s20+$0x14D20];
	[tilespmem:s17+$0x10C70] =	vst v1  }
0x146: {  	v1 =	vld [tilespmem:s20+$0x10C70];
	[tilespmem:s17+$0x14C30] =	vst v2  }
0x147: {  	v2 =	vld [tilespmem:s20+$0x10C80];
	[tilespmem:s17+$0x10C10] =	vst v4  }
.Ltmp5:
0x148: {  	v5 =	vld [tilespmem:s20+$0x10CD0];
	[tilespmem:s17+$0x14C50] =	vst v0;
	(pc) =	sbr.rel @p0 .LBB2_11-.Ltmp5, $4  }
0x149: {  	v4 =	vld [tilespmem:s20+$0x14C90];
	[tilespmem:s17+$0x14CA0] =	vst v3  }
0x14a: {  	v3 =	vld [tilespmem:s20+$0x14CA0];
	[tilespmem:s17+$0x10C30] =	vst v11;
	s17 =	smov.u32 s20  }
0x14b: {  	v0 =	vld [tilespmem:s18+$0x0]  }
0x14c: {  	v6 =	vld [tilespmem:s17+$0x14D10]  }
0x14d: {  	_ =	sdelay $0x2  }
0x14e: {  	v14 =	vbroadcast v0, $0xC  }
0x14f: {  	v15 =	vld [tilespmem:s17+$0x10CB0];
	v17 =	vbroadcast v0, $0xE  }
0x150: {  	v20 =	vbroadcast v0, $0xF;
	v9 =	vmul.f32 v9, v14  }
0x151: {  	v18 =	vld [tilespmem:s17+$0x10CA0];
	v8 =	vmul.f32 v8, v17  }
0x152: {  	v19 =	vld [tilespmem:s17+$0x14CD0];
	v21 =	vbroadcast v0, $0xA;
	v7 =	vmul.f32 v7, v20;
	[tilespmem:s17+$0x14CF0] =	vst v9  }
0x153: {  	v10 =	vld [tilespmem:s17+$0x10CC0];
	v5 =	vmul.f32 v5, v14;
	[tilespmem:s17+$0x10CF0] =	vst v8  }
0x154: {  	v30 =	vld [tilespmem:s17+$0x10C60];
	v29 =	vbroadcast v0, $0x9;
	v28 =	vmul.f32 v15, v21;
	[tilespmem:s17+$0x14D20] =	vst v7  }
0x155: {  	v6 =	vmul.f32 v6, v17;
	[tilespmem:s17+$0x10CD0] =	vst v5  }
0x156: {  	v11 =	vld [tilespmem:s17+$0x10CE0];
	v37 =	vbroadcast v0, $0xB;
	v31 =	vmul.f32 v18, v29;
	[tilespmem:s17+$0x10CB0] =	vst v28  }
0x157: {  	v36 =	vld [tilespmem:s17+$0x14C80];
	v23 =	vbroadcast v0, $0x5;
	v34 =	vmul.f32 v19, v21;
	[tilespmem:s17+$0x14D10] =	vst v6  }
0x158: {  	v12 =	vld [tilespmem:s17+$0x14CE0];
	v44 =	vbroadcast v0, $0x6;
	v39 =	vmul.f32 v10, v37;
	[tilespmem:s17+$0x10CA0] =	vst v31  }
0x159: {  	v45 =	vbroadcast v0, $0xD;
	v41 =	vmul.f32 v30, v23;
	[tilespmem:s17+$0x14CD0] =	vst v34  }
0x15a: {  	v22 =	vld [tilespmem:s17+$0x14C70];
	v4 =	vmul.f32 v4, v44;
	[tilespmem:s17+$0x10CC0] =	vst v39  }
0x15b: {  	v35 =	vld [tilespmem:s17+$0x14D00];
	v11 =	vmul.f32 v11, v45;
	[tilespmem:s17+$0x10C60] =	vst v41  }
0x15c: {  	v13 =	vld [tilespmem:s17+$0x10C40];
	v25 =	vbroadcast v0, $0x7;
	v19 =	vmul.f32 v36, v23;
	[tilespmem:s17+$0x14C90] =	vst v4  }
0x15d: {  	v43 =	vld [tilespmem:s17+$0x14C60];
	v49 =	vbroadcast v0, $0x4;
	v48 =	vmul.f32 v12, v37;
	[tilespmem:s17+$0x10CE0] =	vst v11  }
0x15e: {  	v42 =	vld [tilespmem:s17+$0x10D00];
	v2 =	vmul.f32 v2, v25;
	[tilespmem:s17+$0x14C80] =	vst v19  }
0x15f: {  	v63 =	vld [tilespmem:s17+$0x10C90];
	v52 =	vbroadcast v0, $0x3;
	v51 =	vmul.f32 v22, v49;
	[tilespmem:s17+$0x14CE0] =	vst v48  }
0x160: {  	v40 =	vld [tilespmem:s17+$0x10C50];
	v53 =	vmul.f32 v35, v45;
	[tilespmem:s17+$0x10C80] =	vst v2  }
0x161: {  	v54 =	vmul.f32 v13, v52;
	[tilespmem:s17+$0x14C70] =	vst v51  }
0x162: {  	v24 =	vld [tilespmem:s17+$0x14C30];
	v38 =	vbroadcast v0, $0x8;
	v55 =	vmul.f32 v43, v52;
	[tilespmem:s17+$0x14D00] =	vst v53  }
0x163: {  	v56 =	vmul.f32 v42, v20;
	[tilespmem:s17+$0x10C40] =	vst v54  }
0x164: {  	v50 =	vld [tilespmem:s17+$0x10C30];
	v57 =	vmul.f32 v63, v38;
	[tilespmem:s17+$0x14C60] =	vst v55  }
0x165: {  	v62 =	vld [tilespmem:s17+$0x10C20];
	v59 =	vbroadcast v0, $0x0;
	v58 =	vmul.f32 v40, v49;
	[tilespmem:s17+$0x10D00] =	vst v56  }
0x166: {  	v27 =	vld [tilespmem:s17+$0x14CB0];
	v1 =	vmul.f32 v1, v44;
	[tilespmem:s17+$0x10C90] =	vst v57  }
0x167: {  	v32 =	vld [tilespmem:s17+$0x14C40];
	v60 =	vbroadcast v0, $0x2;
	v61 =	vmul.f32 v24, v59;
	[tilespmem:s17+$0x10C50] =	vst v58  }
0x168: {  	v16 =	vld [tilespmem:s17+$0x14CC0];
	v33 =	vbroadcast v0, $0x1;
	v63 =	vmul.f32 v3, v25;
	[tilespmem:s17+$0x10C70] =	vst v1  }
0x169: {  	v47 =	vld [tilespmem:s17+$0x10C10];
	v0 =	vmul.f32 v50, v60;
	[tilespmem:s17+$0x14C30] =	vst v61  }
0x16a: {  	v46 =	vld [tilespmem:s17+$0x14C50];
	v9 =	vmul.f32 v62, v33;
	[tilespmem:s17+$0x14CA0] =	vst v63  }
0x16b: {  	v7 =	vmul.f32 v27, v38;
	[tilespmem:s17+$0x10C30] =	vst v0  }
0x16c: {  	v6 =	vmul.f32 v32, v33;
	[tilespmem:s17+$0x10C20] =	vst v9  }
0x16d: {  	v5 =	vmul.f32 v16, v29;
	[tilespmem:s17+$0x14CB0] =	vst v7  }
0x16e: {  	v4 =	vmul.f32 v59, v47;
	[tilespmem:s17+$0x14C40] =	vst v6  }
0x16f: {  	v62 =	vmul.f32 v46, v60;
	[tilespmem:s17+$0x14CC0] =	vst v5  }
0x170: {  	[tilespmem:s17+$0x10C10] =	vst v4  }
0x171: {  	[tilespmem:s17+$0x14C50] =	vst v62  }
0x172: {  	[hbm4b:s7+s12] =	stream.strided.scatter [tilespmem:s15], [sflag:$0x1], $0x4010, s14, s12, $0x38;
	[tilespmem:$0x18C40] =	vst v63  }
0x173: {  	s4 =	sadd.s32 $0x1, s4;
	_ =	swait.ge [sflag:s10], $0x4010  }
0x174: {  	p0 =	sne.s32 s4, s9;
	[sflag:s10] =	ssyncset.done $0x0  }
.Ltmp6:
0x175: {  	[sflag:s10] =	ssyncadd.s32 $0xFFFFBFF0;
	(pc) =	sbr.rel @p0 .LBB2_2-.Ltmp6, $4  }
0x176: {  	[hbm4b:s8+s12] =	stream.strided.scatter [tilespmem:s16], [sflag:$0x1], $0x4010, s14, s12, $0x38;
	[tilespmem:$0x18C40] =	vst v63  }
0x177: {  	_ =	swait.ge [sflag:s10], $0x4010  }
0x178: {  	[sflag:s10] =	ssyncset.done $0x0  }
0x179: {  	[sflag:s10] =	ssyncadd.s32 $0xFFFFBFF0  }
.LBB2_13:
0x17a: {  	_ =	sfence.sel $0x180000  }
0x17b: {  	[bflag:$0x0] =	sbarrier.arrive $0xFFFF  }
0x17c: {  	p0 =	sne.s32 s2, $0x0;
	_ =	strace $0x90000047  }
0x17d: {  	s0 =	sadd.s32 @!p0 $0x100000, s0;
	[bflag:$0x2] =	sbarrier.arrive $0xFFFF  }
0x17e: {  	[sflag:s0] =	ssyncadd.tile.s32 @!p0 $0x1;
	_ =	shalt  }
.Lfunc_end2:
_tile_overlayer_lowered:
.L_overlay_start_2:
0x17f: {  	(tag) =	ssettag $0x2  }
0x180: {  	s0 =	rddreg [dreg:$0x0];
	s2 =	stileid.u32  }
0x181: {  	s1 =	rddreg [dreg:$0x1];
	p0 =	sne.s32 s2, $0x0  }
0x182: {  	s3 =	rddreg [dreg:$0x2];
	[bflag:$0x3] =	sbarrier.arrive $0xFFFF;
	s2 =	simm.s32 @!p0 $0x1C01  }
0x183: {  	[timem:s3], [sflag:s2] =	dma.local @!p0 [hbm:s0], s1  }
0x184: {  	s0 =	simm.s32 @!p0 $0x1  }
0x185: {  	_ =	swait.ge @!p0 [sflag:s0], s1  }
0x186: {  	s1 =	ssub.s32 @!p0 $0x0, s1;
	[sflag:s0] =	ssyncset.done @!p0 $0x0  }
0x187: {  	[sflag:s0] =	ssyncadd.s32 @!p0 s1  }
0x188: {  	[bflag:$0x3] =	sbarrier.arrive $0xFFFF  }
0x189: {  	_ =	shalt  }

</sc_bundles>
